<compile_context>
chip_gen: v7x
topology: tpu7x:2x2x1
jax: 0.10.2.dev20260603
libtpu: 0.0.44.dev20260713+nightly
codegen_flags: <defaults>
</compile_context>

<pallas_src>
import functools

import jax
import jax.numpy as jnp
from jax import lax
from jax.experimental import pallas as pl
from jax.experimental.pallas import tpu as pltpu
from jax.experimental.pallas import tpu_sc as plsc

N = 10000
E = 320000
D = 128

NC = 2
NS = 16
L = 16

CH = 128
NCHUNK = 80
E_PAD = NC * NS * NCHUNK * CH
EROWS = E_PAD // CH
N_PAD = 10240
ROWS_PT = N_PAD // NS



def _mm_body(x_ref, w_ref, o_ref):
    o_ref[...] = lax.dot_general(
        x_ref[...], w_ref[...], (((1,), (1,)), ((), ())),
        preferred_element_type=jnp.float32)


def _matmul(x, W):
    grid = 10
    blk = N // grid
    return pl.pallas_call(
        _mm_body,
        grid=(grid,),
        in_specs=[
            pl.BlockSpec((blk, D), lambda i: (i, 0)),
            pl.BlockSpec((D, D), lambda i: (0, 0)),
        ],
        out_specs=pl.BlockSpec((blk, D), lambda i: (i, 0)),
        out_shape=jax.ShapeDtypeStruct((N, D), jnp.float32),
    )(x, W)



def _sc_body(xw_hbm, src_hbm, dst_hbm, adj_hbm, zero_hbm, out_hbm,
             src_v, dst_v, adj_v, rows_v, accum, sem):
    c = lax.axis_index("c")
    s = lax.axis_index("s")
    wid = s * NC + c
    base = wid * NCHUNK

    pltpu.sync_copy(zero_hbm.at[pl.ds(s * ROWS_PT, ROWS_PT)],
                    accum.at[pl.ds(s * ROWS_PT, ROWS_PT)])

    pltpu.sync_copy(src_hbm.at[pl.ds(base, NCHUNK)], src_v)
    pltpu.sync_copy(dst_hbm.at[pl.ds(base, NCHUNK)], dst_v)
    pltpu.sync_copy(adj_hbm.at[pl.ds(base, NCHUNK)], adj_v)

    plsc.subcore_barrier()

    def chunk(j, carry):
        pltpu.async_copy(xw_hbm.at[src_v.at[j]], rows_v, sem).wait()

        def grp(g16, cc):
            a16 = adj_v[j, pl.ds(g16 * L, L)]
            for i in range(L):
                e = g16 * L + i
                splat = a16.at[jnp.full((L,), i, jnp.int32)].get(
                    mode="promise_in_bounds")
                for g in range(D // L):
                    sl = pl.ds(g * L, L)
                    rows_v[e, sl] = rows_v[e, sl] * splat
            return cc
        lax.fori_loop(0, CH // L, grp, 0, unroll=False)

        pltpu.sync_copy(rows_v, accum.at[dst_v.at[j]], add=True)
        return carry

    lax.fori_loop(0, NCHUNK, chunk, 0, unroll=False)

    plsc.subcore_barrier()
    pltpu.sync_copy(accum.at[pl.ds(s * ROWS_PT, ROWS_PT)],
                    out_hbm.at[c, pl.ds(s * ROWS_PT, ROWS_PT)])


def _propagate(xw, src2d, dst2d, adj2d, zeros_init):
    mesh = plsc.VectorSubcoreMesh(core_axis_name="c", subcore_axis_name="s")
    k = pl.kernel(
        _sc_body,
        out_type=jax.ShapeDtypeStruct((NC, N_PAD, D), jnp.float32),
        mesh=mesh,
        scratch_types=[
            pltpu.VMEM((NCHUNK, CH), jnp.int32),
            pltpu.VMEM((NCHUNK, CH), jnp.int32),
            pltpu.VMEM((NCHUNK, CH), jnp.float32),
            pltpu.VMEM((CH, D), jnp.float32),
            pltpu.VMEM_SHARED((N_PAD, D), jnp.float32),
            pltpu.SemaphoreType.DMA,
        ],
    )
    return k(xw, src2d, dst2d, adj2d, zeros_init)



def _add_body(a_ref, b_ref, o_ref):
    o_ref[...] = a_ref[0] + b_ref[0]


def _combine(partial):
    grid = 25
    blk = N // grid
    return pl.pallas_call(
        _add_body,
        grid=(grid,),
        in_specs=[
            pl.BlockSpec((1, blk, D), lambda i: (0, i, 0)),
            pl.BlockSpec((1, blk, D), lambda i: (1, i, 0)),
        ],
        out_specs=pl.BlockSpec((blk, D), lambda i: (i, 0)),
        out_shape=jax.ShapeDtypeStruct((N, D), jnp.float32),
    )(partial, partial)



@jax.jit
def kernel(x, edge_index, adj_values, W):
    xw = _matmul(x, W)

    pad = E_PAD - E
    src = jnp.concatenate([edge_index[1], jnp.zeros((pad,), jnp.int32)])
    dst = jnp.concatenate([edge_index[0], jnp.full((pad,), N, jnp.int32)])
    adj = jnp.concatenate([adj_values, jnp.zeros((pad,), jnp.float32)])
    src2d = src.reshape(EROWS, CH)
    dst2d = dst.reshape(EROWS, CH)
    adj2d = adj.reshape(EROWS, CH)
    zeros_init = jnp.zeros((N_PAD, D), jnp.float32)

    partial = _propagate(xw, src2d, dst2d, adj2d, zeros_init)
    return _combine(partial)

# --- scband reference (transcript-rebuilt; emitter-appended) ---
"""Pipeline reference for scband-gcnlayer-14886356648858 (READ-ONLY COPY).

The authoritative reference and input builder live on the scoring server;
editing this copy changes nothing except your own understanding.
"""

import jax, jax.numpy as jnp
import numpy as np

N = 10000
E = 320000
D_IN = 128
D_OUT = 128


def setup_inputs(seed: int = 0) -> dict:
    key = jax.random.key(seed)
    k1, k2, k3, k4 = jax.random.split(key, 4)
    x = jax.random.normal(k1, (N, D_IN), dtype=jnp.float32)
    edge_index = jax.random.randint(k2, (2, E), 0, N, dtype=jnp.int32)
    adj_values = jax.random.uniform(k3, (E,), dtype=jnp.float32)
    # nn.Linear weight: [out_dim, in_dim], no bias (use_bias=False)
    W = jax.random.normal(k4, (D_OUT, D_IN), dtype=jnp.float32) * 0.05
    return {"x": x, "edge_index": edge_index, "adj_values": adj_values, "W": W}


def reference(x, edge_index, adj_values, W):
    # Linear (no bias): x @ W^T
    xw = x @ W.T
    # torch.sparse.mm(adj, xw): adj in COO, edge_index[0]=row (dst), edge_index[1]=col (src)
    dst = edge_index[0]
    src = edge_index[1]
    msgs = adj_values[:, None] * jnp.take(xw, src, axis=0)
    out = jax.ops.segment_sum(msgs, dst, num_segments=N)
    return out

if __name__ == "__main__":
    import jax
    _d = setup_inputs()
    print(jax.jit(kernel)(*tuple(_d.values())))

</pallas_src>

<mosaic_0001>
#map = affine_map<(d0, d1) -> (0, 0)>
#map1 = affine_map<(d0, d1) -> (0, 0, 0)>
module attributes {stable_mosaic.version = 14 : i64} {
  func.func @_sc_body(%arg0: i32, %arg1: i32, %arg2: memref<10000x128xf32, #tpu.memory_space<hbm>>, %arg3: memref<2560x128xi32, #tpu.memory_space<hbm>>, %arg4: memref<2560x128xi32, #tpu.memory_space<hbm>>, %arg5: memref<2560x128xf32, #tpu.memory_space<hbm>>, %arg6: memref<10240x128xf32, #tpu.memory_space<hbm>>, %arg7: memref<2x10240x128xf32, #tpu.memory_space<hbm>>, %arg8: memref<80x128xi32, #tpu.memory_space<vmem>>, %arg9: memref<80x128xi32, #tpu.memory_space<vmem>>, %arg10: memref<80x128xf32, #tpu.memory_space<vmem>>, %arg11: memref<128x128xf32, #tpu.memory_space<vmem>>, %arg12: memref<10240x128xf32, #tpu.memory_space<vmem_shared>>, %arg13: memref<!tpu.dma_semaphore, #tpu.memory_space<semaphore_mem>>) attributes {dimension_semantics = [#tpu.dimension_semantics<core_parallel>, #tpu.dimension_semantics<subcore_parallel>], iteration_bounds = array<i64: 2, 16>, scalar_prefetch = 0 : i64, scratch_operands = 6 : i64, tpu.core_type = #tpu.core_type<sc_vector_subcore>, window_params = [{transform_indices = #map}, {transform_indices = #map}, {transform_indices = #map}, {transform_indices = #map}, {transform_indices = #map}, {transform_indices = #map1}]} {
    %mul3A = arith.constant 2 : i32
    %mul3A_0 = arith.muli %arg1, %mul3A : i32
    %add3A = arith.addi %mul3A_0, %arg0 : i32
    %mul3A_1 = arith.constant 80 : i32
    %mul3A_2 = arith.muli %add3A, %mul3A_1 : i32
    %mul3A_3 = arith.constant 640 : i32
    %mul3A_4 = arith.muli %arg1, %mul3A_3 : i32
    %mul3A_5 = arith.constant 640 : i32
    %mul3A_6 = arith.muli %arg1, %mul3A_5 : i32
    "tpu.region"() ({
      %run_scoped3A = tpu.sem_alloc : memref<!tpu.dma_semaphore, #tpu.memory_space<semaphore_mem>>
      %dma_start3A = arith.constant 0 : i32
      %dma_start3A_17 = tpu.memref_slice %arg12[%mul3A_6, %dma_start3A] : memref<10240x128xf32, #tpu.memory_space<vmem_shared>> -> memref<640x128xf32, #tpu.memory_space<vmem_shared>>
      %dma_start3A_18 = arith.constant 0 : i32
      %dma_start3A_19 = tpu.memref_slice %arg6[%mul3A_4, %dma_start3A_18] : memref<10240x128xf32, #tpu.memory_space<hbm>> -> memref<640x128xf32, #tpu.memory_space<hbm>>
      tpu.enqueue_dma source(%dma_start3A_19 : memref<640x128xf32, #tpu.memory_space<hbm>>) target(%dma_start3A_17 : memref<640x128xf32, #tpu.memory_space<vmem_shared>>) target_semaphore(%run_scoped3A : memref<!tpu.dma_semaphore, #tpu.memory_space<semaphore_mem>>)
      %dma_wait3A = arith.constant 0 : i32
      %dma_wait3A_20 = tpu.memref_slice %arg12[%mul3A_6, %dma_wait3A] : memref<10240x128xf32, #tpu.memory_space<vmem_shared>> -> memref<640x128xf32, #tpu.memory_space<vmem_shared>>
      %dma_wait3A_21 = arith.constant 0 : i32
      %dma_wait3A_22 = tpu.memref_slice %arg6[%mul3A_4, %dma_wait3A_21] : memref<10240x128xf32, #tpu.memory_space<hbm>> -> memref<640x128xf32, #tpu.memory_space<hbm>>
      tpu.wait_dma2 semaphore(%run_scoped3A : memref<!tpu.dma_semaphore, #tpu.memory_space<semaphore_mem>>) src(%dma_wait3A_22 : memref<640x128xf32, #tpu.memory_space<hbm>>) dst(%dma_wait3A_20 : memref<640x128xf32, #tpu.memory_space<vmem_shared>>)
      tpu.yield
    }) : () -> ()
    "tpu.region"() ({
      %run_scoped3A = tpu.sem_alloc : memref<!tpu.dma_semaphore, #tpu.memory_space<semaphore_mem>>
      %dma_start3A = arith.constant 0 : i32
      %dma_start3A_17 = tpu.memref_slice %arg3[%mul3A_2, %dma_start3A] : memref<2560x128xi32, #tpu.memory_space<hbm>> -> memref<80x128xi32, #tpu.memory_space<hbm>>
      %dma_start3A_18 = arith.constant 0 : i32
      %dma_start3A_19 = tpu.memref_slice %arg3[%mul3A_2, %dma_start3A_18] : memref<2560x128xi32, #tpu.memory_space<hbm>> -> memref<80x128xi32, #tpu.memory_space<hbm>>
      tpu.enqueue_dma source(%dma_start3A_19 : memref<80x128xi32, #tpu.memory_space<hbm>>) target(%arg8 : memref<80x128xi32, #tpu.memory_space<vmem>>) target_semaphore(%run_scoped3A : memref<!tpu.dma_semaphore, #tpu.memory_space<semaphore_mem>>)
      %dma_wait3A = arith.constant 0 : i32
      %dma_wait3A_20 = tpu.memref_slice %arg3[%mul3A_2, %dma_wait3A] : memref<2560x128xi32, #tpu.memory_space<hbm>> -> memref<80x128xi32, #tpu.memory_space<hbm>>
      %dma_wait3A_21 = arith.constant 0 : i32
      %dma_wait3A_22 = tpu.memref_slice %arg3[%mul3A_2, %dma_wait3A_21] : memref<2560x128xi32, #tpu.memory_space<hbm>> -> memref<80x128xi32, #tpu.memory_space<hbm>>
      tpu.wait_dma2 semaphore(%run_scoped3A : memref<!tpu.dma_semaphore, #tpu.memory_space<semaphore_mem>>) src(%dma_wait3A_22 : memref<80x128xi32, #tpu.memory_space<hbm>>) dst(%arg8 : memref<80x128xi32, #tpu.memory_space<vmem>>)
      tpu.yield
    }) : () -> ()
    "tpu.region"() ({
      %run_scoped3A = tpu.sem_alloc : memref<!tpu.dma_semaphore, #tpu.memory_space<semaphore_mem>>
      %dma_start3A = arith.constant 0 : i32
      %dma_start3A_17 = tpu.memref_slice %arg4[%mul3A_2, %dma_start3A] : memref<2560x128xi32, #tpu.memory_space<hbm>> -> memref<80x128xi32, #tpu.memory_space<hbm>>
      %dma_start3A_18 = arith.constant 0 : i32
      %dma_start3A_19 = tpu.memref_slice %arg4[%mul3A_2, %dma_start3A_18] : memref<2560x128xi32, #tpu.memory_space<hbm>> -> memref<80x128xi32, #tpu.memory_space<hbm>>
      tpu.enqueue_dma source(%dma_start3A_19 : memref<80x128xi32, #tpu.memory_space<hbm>>) target(%arg9 : memref<80x128xi32, #tpu.memory_space<vmem>>) target_semaphore(%run_scoped3A : memref<!tpu.dma_semaphore, #tpu.memory_space<semaphore_mem>>)
      %dma_wait3A = arith.constant 0 : i32
      %dma_wait3A_20 = tpu.memref_slice %arg4[%mul3A_2, %dma_wait3A] : memref<2560x128xi32, #tpu.memory_space<hbm>> -> memref<80x128xi32, #tpu.memory_space<hbm>>
      %dma_wait3A_21 = arith.constant 0 : i32
      %dma_wait3A_22 = tpu.memref_slice %arg4[%mul3A_2, %dma_wait3A_21] : memref<2560x128xi32, #tpu.memory_space<hbm>> -> memref<80x128xi32, #tpu.memory_space<hbm>>
      tpu.wait_dma2 semaphore(%run_scoped3A : memref<!tpu.dma_semaphore, #tpu.memory_space<semaphore_mem>>) src(%dma_wait3A_22 : memref<80x128xi32, #tpu.memory_space<hbm>>) dst(%arg9 : memref<80x128xi32, #tpu.memory_space<vmem>>)
      tpu.yield
    }) : () -> ()
    "tpu.region"() ({
      %run_scoped3A = tpu.sem_alloc : memref<!tpu.dma_semaphore, #tpu.memory_space<semaphore_mem>>
      %dma_start3A = arith.constant 0 : i32
      %dma_start3A_17 = tpu.memref_slice %arg5[%mul3A_2, %dma_start3A] : memref<2560x128xf32, #tpu.memory_space<hbm>> -> memref<80x128xf32, #tpu.memory_space<hbm>>
      %dma_start3A_18 = arith.constant 0 : i32
      %dma_start3A_19 = tpu.memref_slice %arg5[%mul3A_2, %dma_start3A_18] : memref<2560x128xf32, #tpu.memory_space<hbm>> -> memref<80x128xf32, #tpu.memory_space<hbm>>
      tpu.enqueue_dma source(%dma_start3A_19 : memref<80x128xf32, #tpu.memory_space<hbm>>) target(%arg10 : memref<80x128xf32, #tpu.memory_space<vmem>>) target_semaphore(%run_scoped3A : memref<!tpu.dma_semaphore, #tpu.memory_space<semaphore_mem>>)
      %dma_wait3A = arith.constant 0 : i32
      %dma_wait3A_20 = tpu.memref_slice %arg5[%mul3A_2, %dma_wait3A] : memref<2560x128xf32, #tpu.memory_space<hbm>> -> memref<80x128xf32, #tpu.memory_space<hbm>>
      %dma_wait3A_21 = arith.constant 0 : i32
      %dma_wait3A_22 = tpu.memref_slice %arg5[%mul3A_2, %dma_wait3A_21] : memref<2560x128xf32, #tpu.memory_space<hbm>> -> memref<80x128xf32, #tpu.memory_space<hbm>>
      tpu.wait_dma2 semaphore(%run_scoped3A : memref<!tpu.dma_semaphore, #tpu.memory_space<semaphore_mem>>) src(%dma_wait3A_22 : memref<80x128xf32, #tpu.memory_space<hbm>>) dst(%arg10 : memref<80x128xf32, #tpu.memory_space<vmem>>)
      tpu.yield
    }) : () -> ()
    %barrier3A = arith.constant 0 : index
    tpu.barrier barrier_id(%barrier3A)
    %scan3A = arith.constant 0 : i32
    %scan3A_7 = arith.constant 0 : i32
    %scan3A_8 = arith.constant 80 : i32
    %scan3A_9 = arith.addi %scan3A_7, %scan3A_8 : i32
    %scan3A_10 = arith.constant 1 : i32
    scf.for %scan3A_17 = %scan3A_7 to %scan3A_9 step %scan3A_10  : i32 {
      %dma_start3A = arith.constant 0 : i32
      %dma_start3A_18 = tpu.memref_slice %arg8[%scan3A_17, %dma_start3A] : memref<80x128xi32, #tpu.memory_space<vmem>> -> memref<1x128xi32, #tpu.memory_space<vmem>>
      %dma_start3A_19 = tpu.memref_squeeze %dma_start3A_18 : memref<1x128xi32, #tpu.memory_space<vmem>> -> memref<128xi32, #tpu.memory_space<vmem>>
      %dma_start3A_20 = arith.constant 0 : i32
      %dma_start3A_21 = arith.constant 0 : i32
      %dma_start3A_22 = tpu.memref_slice %arg2[%dma_start3A_20, %dma_start3A_21] : memref<10000x128xf32, #tpu.memory_space<hbm>> -> memref<10000x128xf32, #tpu.memory_space<hbm>>
      tpu.enqueue_indirect_dma source(%dma_start3A_22 : memref<10000x128xf32, #tpu.memory_space<hbm>>) target(%arg11 : memref<128x128xf32, #tpu.memory_space<vmem>>) offsets(%dma_start3A_19 : memref<128xi32, #tpu.memory_space<vmem>>) semaphore(%arg13 : memref<!tpu.dma_semaphore, #tpu.memory_space<semaphore_mem>>)
      %dma_wait3A = arith.constant 0 : i32
      %dma_wait3A_23 = tpu.memref_slice %arg8[%scan3A_17, %dma_wait3A] : memref<80x128xi32, #tpu.memory_space<vmem>> -> memref<1x128xi32, #tpu.memory_space<vmem>>
      %dma_wait3A_24 = tpu.memref_squeeze %dma_wait3A_23 : memref<1x128xi32, #tpu.memory_space<vmem>> -> memref<128xi32, #tpu.memory_space<vmem>>
      %dma_wait3A_25 = arith.constant 0 : i32
      %dma_wait3A_26 = arith.constant 0 : i32
      %dma_wait3A_27 = tpu.memref_slice %arg2[%dma_wait3A_25, %dma_wait3A_26] : memref<10000x128xf32, #tpu.memory_space<hbm>> -> memref<10000x128xf32, #tpu.memory_space<hbm>>
      tpu.wait_indirect_dma semaphore(%arg13 : memref<!tpu.dma_semaphore, #tpu.memory_space<semaphore_mem>>) src(%dma_wait3A_27 : memref<10000x128xf32, #tpu.memory_space<hbm>>) dst(%arg11 : memref<128x128xf32, #tpu.memory_space<vmem>>)
      %scan3A_28 = arith.constant 0 : i32
      %scan3A_29 = arith.constant 0 : i32
      %scan3A_30 = arith.constant 8 : i32
      %scan3A_31 = arith.addi %scan3A_29, %scan3A_30 : i32
      %scan3A_32 = arith.constant 1 : i32
      scf.for %scan3A_34 = %scan3A_29 to %scan3A_31 step %scan3A_32  : i32 {
        %mul3A_35 = arith.constant 16 : i32
        %mul3A_36 = arith.muli %scan3A_34, %mul3A_35 : i32
        %get3A = arith.index_cast %scan3A_17 : i32 to index
        %get3A_37 = arith.index_cast %mul3A_36 : i32 to index
        %get3A_38 = tpu.vector_load %arg10[%get3A, %get3A_37] {strides = array<i32>} : memref<80x128xf32, #tpu.memory_space<vmem>>, vector<1x16xf32>,
        %get3A_39 = vector.shape_cast %get3A_38 : vector<1x16xf32> to vector<16xf32>
        %mul3A_40 = arith.constant 16 : i32
        %mul3A_41 = arith.muli %scan3A_34, %mul3A_40 : i32
        %add3A_42 = arith.constant 0 : i32
        %add3A_43 = arith.addi %mul3A_41, %add3A_42 : i32
        %broadcast_in_dim3A = arith.constant 0 : i32
        %broadcast_in_dim3A_44 = vector.broadcast %broadcast_in_dim3A : i32 to vector<16xi32>
        %lt3A = arith.constant 0 : i32
        %lt3A_45 = vector.broadcast %lt3A : i32 to vector<16xi32>
        %lt3A_46 = arith.cmpi slt, %broadcast_in_dim3A_44, %lt3A_45 : vector<16xi32>
        %add3A_47 = arith.constant 16 : i32
        %add3A_48 = vector.broadcast %add3A_47 : i32 to vector<16xi32>
        %add3A_49 = arith.addi %broadcast_in_dim3A_44, %add3A_48 : vector<16xi32>
        %select_n3A = arith.select %lt3A_46, %add3A_49, %broadcast_in_dim3A_44 : vector<16xi1>, vector<16xi32>
        %broadcast_in_dim3A_50 = vector.shape_cast %select_n3A : vector<16xi32> to vector<16x1xi32>
        %gather3A = vector.shape_cast %broadcast_in_dim3A_50 : vector<16x1xi32> to vector<16xi32>
        %gather3A_51 = tpu.dynamic_gather %get3A_39[%gather3A] in [0] : vector<16xf32>, vector<16xi32> -> vector<16xf32>
        %get3A_52 = arith.index_cast %add3A_43 : i32 to index
        %get3A_53 = arith.constant 0 : index
        %get3A_54 = tpu.vector_load %arg11[%get3A_52, %get3A_53] {strides = array<i32>} : memref<128x128xf32, #tpu.memory_space<vmem>>, vector<1x16xf32>,
        %get3A_55 = vector.shape_cast %get3A_54 : vector<1x16xf32> to vector<16xf32>
        %mul3A_56 = arith.mulf %get3A_55, %gather3A_51 : vector<16xf32>
        %swap3A = arith.index_cast %add3A_43 : i32 to index
        %swap3A_57 = arith.constant 0 : index
        %swap3A_58 = tpu.vector_load %arg11[%swap3A, %swap3A_57] {strides = array<i32>} : memref<128x128xf32, #tpu.memory_space<vmem>>, vector<1x16xf32>,
        %swap3A_59 = vector.shape_cast %swap3A_58 : vector<1x16xf32> to vector<16xf32>
        %swap3A_60 = vector.shape_cast %mul3A_56 : vector<16xf32> to vector<1x16xf32>
        tpu.vector_store %arg11[%swap3A, %swap3A_57], %swap3A_60 {strides = array<i32>} : memref<128x128xf32, #tpu.memory_space<vmem>>, vector<1x16xf32>,
        %get3A_61 = arith.index_cast %add3A_43 : i32 to index
        %get3A_62 = arith.constant 16 : index
        %get3A_63 = tpu.vector_load %arg11[%get3A_61, %get3A_62] {strides = array<i32>} : memref<128x128xf32, #tpu.memory_space<vmem>>, vector<1x16xf32>,
        %get3A_64 = vector.shape_cast %get3A_63 : vector<1x16xf32> to vector<16xf32>
        %mul3A_65 = arith.mulf %get3A_64, %gather3A_51 : vector<16xf32>
        %swap3A_66 = arith.index_cast %add3A_43 : i32 to index
        %swap3A_67 = arith.constant 16 : index
        %swap3A_68 = tpu.vector_load %arg11[%swap3A_66, %swap3A_67] {strides = array<i32>} : memref<128x128xf32, #tpu.memory_space<vmem>>, vector<1x16xf32>,
        %swap3A_69 = vector.shape_cast %swap3A_68 : vector<1x16xf32> to vector<16xf32>
        %swap3A_70 = vector.shape_cast %mul3A_65 : vector<16xf32> to vector<1x16xf32>
        tpu.vector_store %arg11[%swap3A_66, %swap3A_67], %swap3A_70 {strides = array<i32>} : memref<128x128xf32, #tpu.memory_space<vmem>>, vector<1x16xf32>,
        %get3A_71 = arith.index_cast %add3A_43 : i32 to index
        %get3A_72 = arith.constant 32 : index
        %get3A_73 = tpu.vector_load %arg11[%get3A_71, %get3A_72] {strides = array<i32>} : memref<128x128xf32, #tpu.memory_space<vmem>>, vector<1x16xf32>,
        %get3A_74 = vector.shape_cast %get3A_73 : vector<1x16xf32> to vector<16xf32>
        %mul3A_75 = arith.mulf %get3A_74, %gather3A_51 : vector<16xf32>
        %swap3A_76 = arith.index_cast %add3A_43 : i32 to index
        %swap3A_77 = arith.constant 32 : index
        %swap3A_78 = tpu.vector_load %arg11[%swap3A_76, %swap3A_77] {strides = array<i32>} : memref<128x128xf32, #tpu.memory_space<vmem>>, vector<1x16xf32>,
        %swap3A_79 = vector.shape_cast %swap3A_78 : vector<1x16xf32> to vector<16xf32>
        %swap3A_80 = vector.shape_cast %mul3A_75 : vector<16xf32> to vector<1x16xf32>
        tpu.vector_store %arg11[%swap3A_76, %swap3A_77], %swap3A_80 {strides = array<i32>} : memref<128x128xf32, #tpu.memory_space<vmem>>, vector<1x16xf32>,
        %get3A_81 = arith.index_cast %add3A_43 : i32 to index
        %get3A_82 = arith.constant 48 : index
        %get3A_83 = tpu.vector_load %arg11[%get3A_81, %get3A_82] {strides = array<i32>} : memref<128x128xf32, #tpu.memory_space<vmem>>, vector<1x16xf32>,
        %get3A_84 = vector.shape_cast %get3A_83 : vector<1x16xf32> to vector<16xf32>
        %mul3A_85 = arith.mulf %get3A_84, %gather3A_51 : vector<16xf32>
        %swap3A_86 = arith.index_cast %add3A_43 : i32 to index
        %swap3A_87 = arith.constant 48 : index
        %swap3A_88 = tpu.vector_load %arg11[%swap3A_86, %swap3A_87] {strides = array<i32>} : memref<128x128xf32, #tpu.memory_space<vmem>>, vector<1x16xf32>,
        %swap3A_89 = vector.shape_cast %swap3A_88 : vector<1x16xf32> to vector<16xf32>
        %swap3A_90 = vector.shape_cast %mul3A_85 : vector<16xf32> to vector<1x16xf32>
        tpu.vector_store %arg11[%swap3A_86, %swap3A_87], %swap3A_90 {strides = array<i32>} : memref<128x128xf32, #tpu.memory_space<vmem>>, vector<1x16xf32>,
        %get3A_91 = arith.index_cast %add3A_43 : i32 to index
        %get3A_92 = arith.constant 64 : index
        %get3A_93 = tpu.vector_load %arg11[%get3A_91, %get3A_92] {strides = array<i32>} : memref<128x128xf32, #tpu.memory_space<vmem>>, vector<1x16xf32>,
        %get3A_94 = vector.shape_cast %get3A_93 : vector<1x16xf32> to vector<16xf32>
        %mul3A_95 = arith.mulf %get3A_94, %gather3A_51 : vector<16xf32>
        %swap3A_96 = arith.index_cast %add3A_43 : i32 to index
        %swap3A_97 = arith.constant 64 : index
        %swap3A_98 = tpu.vector_load %arg11[%swap3A_96, %swap3A_97] {strides = array<i32>} : memref<128x128xf32, #tpu.memory_space<vmem>>, vector<1x16xf32>,
        %swap3A_99 = vector.shape_cast %swap3A_98 : vector<1x16xf32> to vector<16xf32>
        %swap3A_100 = vector.shape_cast %mul3A_95 : vector<16xf32> to vector<1x16xf32>
        tpu.vector_store %arg11[%swap3A_96, %swap3A_97], %swap3A_100 {strides = array<i32>} : memref<128x128xf32, #tpu.memory_space<vmem>>, vector<1x16xf32>,
        %get3A_101 = arith.index_cast %add3A_43 : i32 to index
        %get3A_102 = arith.constant 80 : index
        %get3A_103 = tpu.vector_load %arg11[%get3A_101, %get3A_102] {strides = array<i32>} : memref<128x128xf32, #tpu.memory_space<vmem>>, vector<1x16xf32>,
        %get3A_104 = vector.shape_cast %get3A_103 : vector<1x16xf32> to vector<16xf32>
        %mul3A_105 = arith.mulf %get3A_104, %gather3A_51 : vector<16xf32>
        %swap3A_106 = arith.index_cast %add3A_43 : i32 to index
        %swap3A_107 = arith.constant 80 : index
        %swap3A_108 = tpu.vector_load %arg11[%swap3A_106, %swap3A_107] {strides = array<i32>} : memref<128x128xf32, #tpu.memory_space<vmem>>, vector<1x16xf32>,
        %swap3A_109 = vector.shape_cast %swap3A_108 : vector<1x16xf32> to vector<16xf32>
        %swap3A_110 = vector.shape_cast %mul3A_105 : vector<16xf32> to vector<1x16xf32>
        tpu.vector_store %arg11[%swap3A_106, %swap3A_107], %swap3A_110 {strides = array<i32>} : memref<128x128xf32, #tpu.memory_space<vmem>>, vector<1x16xf32>,
        %get3A_111 = arith.index_cast %add3A_43 : i32 to index
        %get3A_112 = arith.constant 96 : index
        %get3A_113 = tpu.vector_load %arg11[%get3A_111, %get3A_112] {strides = array<i32>} : memref<128x128xf32, #tpu.memory_space<vmem>>, vector<1x16xf32>,
        %get3A_114 = vector.shape_cast %get3A_113 : vector<1x16xf32> to vector<16xf32>
        %mul3A_115 = arith.mulf %get3A_114, %gather3A_51 : vector<16xf32>
        %swap3A_116 = arith.index_cast %add3A_43 : i32 to index
        %swap3A_117 = arith.constant 96 : index
        %swap3A_118 = tpu.vector_load %arg11[%swap3A_116, %swap3A_117] {strides = array<i32>} : memref<128x128xf32, #tpu.memory_space<vmem>>, vector<1x16xf32>,
        %swap3A_119 = vector.shape_cast %swap3A_118 : vector<1x16xf32> to vector<16xf32>
        %swap3A_120 = vector.shape_cast %mul3A_115 : vector<16xf32> to vector<1x16xf32>
        tpu.vector_store %arg11[%swap3A_116, %swap3A_117], %swap3A_120 {strides = array<i32>} : memref<128x128xf32, #tpu.memory_space<vmem>>, vector<1x16xf32>,
        %get3A_121 = arith.index_cast %add3A_43 : i32 to index
        %get3A_122 = arith.constant 112 : index
        %get3A_123 = tpu.vector_load %arg11[%get3A_121, %get3A_122] {strides = array<i32>} : memref<128x128xf32, #tpu.memory_space<vmem>>, vector<1x16xf32>,
        %get3A_124 = vector.shape_cast %get3A_123 : vector<1x16xf32> to vector<16xf32>
        %mul3A_125 = arith.mulf %get3A_124, %gather3A_51 : vector<16xf32>
        %swap3A_126 = arith.index_cast %add3A_43 : i32 to index
        %swap3A_127 = arith.constant 112 : index
        %swap3A_128 = tpu.vector_load %arg11[%swap3A_126, %swap3A_127] {strides = array<i32>} : memref<128x128xf32, #tpu.memory_space<vmem>>, vector<1x16xf32>,
        %swap3A_129 = vector.shape_cast %swap3A_128 : vector<1x16xf32> to vector<16xf32>
        %swap3A_130 = vector.shape_cast %mul3A_125 : vector<16xf32> to vector<1x16xf32>
        tpu.vector_store %arg11[%swap3A_126, %swap3A_127], %swap3A_130 {strides = array<i32>} : memref<128x128xf32, #tpu.memory_space<vmem>>, vector<1x16xf32>,
        %mul3A_131 = arith.constant 16 : i32
        %mul3A_132 = arith.muli %scan3A_34, %mul3A_131 : i32
        %add3A_133 = arith.constant 1 : i32
        %add3A_134 = arith.addi %mul3A_132, %add3A_133 : i32
        %broadcast_in_dim3A_135 = arith.constant 1 : i32
        %broadcast_in_dim3A_136 = vector.broadcast %broadcast_in_dim3A_135 : i32 to vector<16xi32>
        %lt3A_137 = arith.constant 0 : i32
        %lt3A_138 = vector.broadcast %lt3A_137 : i32 to vector<16xi32>
        %lt3A_139 = arith.cmpi slt, %broadcast_in_dim3A_136, %lt3A_138 : vector<16xi32>
        %add3A_140 = arith.constant 16 : i32
        %add3A_141 = vector.broadcast %add3A_140 : i32 to vector<16xi32>
        %add3A_142 = arith.addi %broadcast_in_dim3A_136, %add3A_141 : vector<16xi32>
        %select_n3A_143 = arith.select %lt3A_139, %add3A_142, %broadcast_in_dim3A_136 : vector<16xi1>, vector<16xi32>
        %broadcast_in_dim3A_144 = vector.shape_cast %select_n3A_143 : vector<16xi32> to vector<16x1xi32>
        %gather3A_145 = vector.shape_cast %broadcast_in_dim3A_144 : vector<16x1xi32> to vector<16xi32>
        %gather3A_146 = tpu.dynamic_gather %get3A_39[%gather3A_145] in [0] : vector<16xf32>, vector<16xi32> -> vector<16xf32>
        %get3A_147 = arith.index_cast %add3A_134 : i32 to index
        %get3A_148 = arith.constant 0 : index
        %get3A_149 = tpu.vector_load %arg11[%get3A_147, %get3A_148] {strides = array<i32>} : memref<128x128xf32, #tpu.memory_space<vmem>>, vector<1x16xf32>,
        %get3A_150 = vector.shape_cast %get3A_149 : vector<1x16xf32> to vector<16xf32>
        %mul3A_151 = arith.mulf %get3A_150, %gather3A_146 : vector<16xf32>
        %swap3A_152 = arith.index_cast %add3A_134 : i32 to index
        %swap3A_153 = arith.constant 0 : index
        %swap3A_154 = tpu.vector_load %arg11[%swap3A_152, %swap3A_153] {strides = array<i32>} : memref<128x128xf32, #tpu.memory_space<vmem>>, vector<1x16xf32>,
        %swap3A_155 = vector.shape_cast %swap3A_154 : vector<1x16xf32> to vector<16xf32>
        %swap3A_156 = vector.shape_cast %mul3A_151 : vector<16xf32> to vector<1x16xf32>
        tpu.vector_store %arg11[%swap3A_152, %swap3A_153], %swap3A_156 {strides = array<i32>} : memref<128x128xf32, #tpu.memory_space<vmem>>, vector<1x16xf32>,
        %get3A_157 = arith.index_cast %add3A_134 : i32 to index
        %get3A_158 = arith.constant 16 : index
        %get3A_159 = tpu.vector_load %arg11[%get3A_157, %get3A_158] {strides = array<i32>} : memref<128x128xf32, #tpu.memory_space<vmem>>, vector<1x16xf32>,
        %get3A_160 = vector.shape_cast %get3A_159 : vector<1x16xf32> to vector<16xf32>
        %mul3A_161 = arith.mulf %get3A_160, %gather3A_146 : vector<16xf32>
        %swap3A_162 = arith.index_cast %add3A_134 : i32 to index
        %swap3A_163 = arith.constant 16 : index
        %swap3A_164 = tpu.vector_load %arg11[%swap3A_162, %swap3A_163] {strides = array<i32>} : memref<128x128xf32, #tpu.memory_space<vmem>>, vector<1x16xf32>,
        %swap3A_165 = vector.shape_cast %swap3A_164 : vector<1x16xf32> to vector<16xf32>
        %swap3A_166 = vector.shape_cast %mul3A_161 : vector<16xf32> to vector<1x16xf32>
        tpu.vector_store %arg11[%swap3A_162, %swap3A_163], %swap3A_166 {strides = array<i32>} : memref<128x128xf32, #tpu.memory_space<vmem>>, vector<1x16xf32>,
        %get3A_167 = arith.index_cast %add3A_134 : i32 to index
        %get3A_168 = arith.constant 32 : index
        %get3A_169 = tpu.vector_load %arg11[%get3A_167, %get3A_168] {strides = array<i32>} : memref<128x128xf32, #tpu.memory_space<vmem>>, vector<1x16xf32>,
        %get3A_170 = vector.shape_cast %get3A_169 : vector<1x16xf32> to vector<16xf32>
        %mul3A_171 = arith.mulf %get3A_170, %gather3A_146 : vector<16xf32>
        %swap3A_172 = arith.index_cast %add3A_134 : i32 to index
        %swap3A_173 = arith.constant 32 : index
        %swap3A_174 = tpu.vector_load %arg11[%swap3A_172, %swap3A_173] {strides = array<i32>} : memref<128x128xf32, #tpu.memory_space<vmem>>, vector<1x16xf32>,
        %swap3A_175 = vector.shape_cast %swap3A_174 : vector<1x16xf32> to vector<16xf32>
        %swap3A_176 = vector.shape_cast %mul3A_171 : vector<16xf32> to vector<1x16xf32>
        tpu.vector_store %arg11[%swap3A_172, %swap3A_173], %swap3A_176 {strides = array<i32>} : memref<128x128xf32, #tpu.memory_space<vmem>>, vector<1x16xf32>,
        %get3A_177 = arith.index_cast %add3A_134 : i32 to index
        %get3A_178 = arith.constant 48 : index
        %get3A_179 = tpu.vector_load %arg11[%get3A_177, %get3A_178] {strides = array<i32>} : memref<128x128xf32, #tpu.memory_space<vmem>>, vector<1x16xf32>,
        %get3A_180 = vector.shape_cast %get3A_179 : vector<1x16xf32> to vector<16xf32>
        %mul3A_181 = arith.mulf %get3A_180, %gather3A_146 : vector<16xf32>
        %swap3A_182 = arith.index_cast %add3A_134 : i32 to index
        %swap3A_183 = arith.constant 48 : index
        %swap3A_184 = tpu.vector_load %arg11[%swap3A_182, %swap3A_183] {strides = array<i32>} : memref<128x128xf32, #tpu.memory_space<vmem>>, vector<1x16xf32>,
        %swap3A_185 = vector.shape_cast %swap3A_184 : vector<1x16xf32> to vector<16xf32>
        %swap3A_186 = vector.shape_cast %mul3A_181 : vector<16xf32> to vector<1x16xf32>
        tpu.vector_store %arg11[%swap3A_182, %swap3A_183], %swap3A_186 {strides = array<i32>} : memref<128x128xf32, #tpu.memory_space<vmem>>, vector<1x16xf32>,
        %get3A_187 = arith.index_cast %add3A_134 : i32 to index
        %get3A_188 = arith.constant 64 : index
        %get3A_189 = tpu.vector_load %arg11[%get3A_187, %get3A_188] {strides = array<i32>} : memref<128x128xf32, #tpu.memory_space<vmem>>, vector<1x16xf32>,
        %get3A_190 = vector.shape_cast %get3A_189 : vector<1x16xf32> to vector<16xf32>
        %mul3A_191 = arith.mulf %get3A_190, %gather3A_146 : vector<16xf32>
        %swap3A_192 = arith.index_cast %add3A_134 : i32 to index
        %swap3A_193 = arith.constant 64 : index
        %swap3A_194 = tpu.vector_load %arg11[%swap3A_192, %swap3A_193] {strides = array<i32>} : memref<128x128xf32, #tpu.memory_space<vmem>>, vector<1x16xf32>,
        %swap3A_195 = vector.shape_cast %swap3A_194 : vector<1x16xf32> to vector<16xf32>
        %swap3A_196 = vector.shape_cast %mul3A_191 : vector<16xf32> to vector<1x16xf32>
        tpu.vector_store %arg11[%swap3A_192, %swap3A_193], %swap3A_196 {strides = array<i32>} : memref<128x128xf32, #tpu.memory_space<vmem>>, vector<1x16xf32>,
        %get3A_197 = arith.index_cast %add3A_134 : i32 to index
        %get3A_198 = arith.constant 80 : index
        %get3A_199 = tpu.vector_load %arg11[%get3A_197, %get3A_198] {strides = array<i32>} : memref<128x128xf32, #tpu.memory_space<vmem>>, vector<1x16xf32>,
        %get3A_200 = vector.shape_cast %get3A_199 : vector<1x16xf32> to vector<16xf32>
        %mul3A_201 = arith.mulf %get3A_200, %gather3A_146 : vector<16xf32>
        %swap3A_202 = arith.index_cast %add3A_134 : i32 to index
        %swap3A_203 = arith.constant 80 : index
        %swap3A_204 = tpu.vector_load %arg11[%swap3A_202, %swap3A_203] {strides = array<i32>} : memref<128x128xf32, #tpu.memory_space<vmem>>, vector<1x16xf32>,
        %swap3A_205 = vector.shape_cast %swap3A_204 : vector<1x16xf32> to vector<16xf32>
        %swap3A_206 = vector.shape_cast %mul3A_201 : vector<16xf32> to vector<1x16xf32>
        tpu.vector_store %arg11[%swap3A_202, %swap3A_203], %swap3A_206 {strides = array<i32>} : memref<128x128xf32, #tpu.memory_space<vmem>>, vector<1x16xf32>,
        %get3A_207 = arith.index_cast %add3A_134 : i32 to index
        %get3A_208 = arith.constant 96 : index
        %get3A_209 = tpu.vector_load %arg11[%get3A_207, %get3A_208] {strides = array<i32>} : memref<128x128xf32, #tpu.memory_space<vmem>>, vector<1x16xf32>,
        %get3A_210 = vector.shape_cast %get3A_209 : vector<1x16xf32> to vector<16xf32>
        %mul3A_211 = arith.mulf %get3A_210, %gather3A_146 : vector<16xf32>
        %swap3A_212 = arith.index_cast %add3A_134 : i32 to index
        %swap3A_213 = arith.constant 96 : index
        %swap3A_214 = tpu.vector_load %arg11[%swap3A_212, %swap3A_213] {strides = array<i32>} : memref<128x128xf32, #tpu.memory_space<vmem>>, vector<1x16xf32>,
        %swap3A_215 = vector.shape_cast %swap3A_214 : vector<1x16xf32> to vector<16xf32>
        %swap3A_216 = vector.shape_cast %mul3A_211 : vector<16xf32> to vector<1x16xf32>
        tpu.vector_store %arg11[%swap3A_212, %swap3A_213], %swap3A_216 {strides = array<i32>} : memref<128x128xf32, #tpu.memory_space<vmem>>, vector<1x16xf32>,
        %get3A_217 = arith.index_cast %add3A_134 : i32 to index
        %get3A_218 = arith.constant 112 : index
        %get3A_219 = tpu.vector_load %arg11[%get3A_217, %get3A_218] {strides = array<i32>} : memref<128x128xf32, #tpu.memory_space<vmem>>, vector<1x16xf32>,
        %get3A_220 = vector.shape_cast %get3A_219 : vector<1x16xf32> to vector<16xf32>
        %mul3A_221 = arith.mulf %get3A_220, %gather3A_146 : vector<16xf32>
        %swap3A_222 = arith.index_cast %add3A_134 : i32 to index
        %swap3A_223 = arith.constant 112 : index
        %swap3A_224 = tpu.vector_load %arg11[%swap3A_222, %swap3A_223] {strides = array<i32>} : memref<128x128xf32, #tpu.memory_space<vmem>>, vector<1x16xf32>,
        %swap3A_225 = vector.shape_cast %swap3A_224 : vector<1x16xf32> to vector<16xf32>
        %swap3A_226 = vector.shape_cast %mul3A_221 : vector<16xf32> to vector<1x16xf32>
        tpu.vector_store %arg11[%swap3A_222, %swap3A_223], %swap3A_226 {strides = array<i32>} : memref<128x128xf32, #tpu.memory_space<vmem>>, vector<1x16xf32>,
        %mul3A_227 = arith.constant 16 : i32
        %mul3A_228 = arith.muli %scan3A_34, %mul3A_227 : i32
        %add3A_229 = arith.constant 2 : i32
        %add3A_230 = arith.addi %mul3A_228, %add3A_229 : i32
        %broadcast_in_dim3A_231 = arith.constant 2 : i32
        %broadcast_in_dim3A_232 = vector.broadcast %broadcast_in_dim3A_231 : i32 to vector<16xi32>
        %lt3A_233 = arith.constant 0 : i32
        %lt3A_234 = vector.broadcast %lt3A_233 : i32 to vector<16xi32>
        %lt3A_235 = arith.cmpi slt, %broadcast_in_dim3A_232, %lt3A_234 : vector<16xi32>
        %add3A_236 = arith.constant 16 : i32
        %add3A_237 = vector.broadcast %add3A_236 : i32 to vector<16xi32>
        %add3A_238 = arith.addi %broadcast_in_dim3A_232, %add3A_237 : vector<16xi32>
        %select_n3A_239 = arith.select %lt3A_235, %add3A_238, %broadcast_in_dim3A_232 : vector<16xi1>, vector<16xi32>
        %broadcast_in_dim3A_240 = vector.shape_cast %select_n3A_239 : vector<16xi32> to vector<16x1xi32>
        %gather3A_241 = vector.shape_cast %broadcast_in_dim3A_240 : vector<16x1xi32> to vector<16xi32>
        %gather3A_242 = tpu.dynamic_gather %get3A_39[%gather3A_241] in [0] : vector<16xf32>, vector<16xi32> -> vector<16xf32>
        %get3A_243 = arith.index_cast %add3A_230 : i32 to index
        %get3A_244 = arith.constant 0 : index
        %get3A_245 = tpu.vector_load %arg11[%get3A_243, %get3A_244] {strides = array<i32>} : memref<128x128xf32, #tpu.memory_space<vmem>>, vector<1x16xf32>,
        %get3A_246 = vector.shape_cast %get3A_245 : vector<1x16xf32> to vector<16xf32>
        %mul3A_247 = arith.mulf %get3A_246, %gather3A_242 : vector<16xf32>
        %swap3A_248 = arith.index_cast %add3A_230 : i32 to index
        %swap3A_249 = arith.constant 0 : index
        %swap3A_250 = tpu.vector_load %arg11[%swap3A_248, %swap3A_249] {strides = array<i32>} : memref<128x128xf32, #tpu.memory_space<vmem>>, vector<1x16xf32>,
        %swap3A_251 = vector.shape_cast %swap3A_250 : vector<1x16xf32> to vector<16xf32>
        %swap3A_252 = vector.shape_cast %mul3A_247 : vector<16xf32> to vector<1x16xf32>
        tpu.vector_store %arg11[%swap3A_248, %swap3A_249], %swap3A_252 {strides = array<i32>} : memref<128x128xf32, #tpu.memory_space<vmem>>, vector<1x16xf32>,
        %get3A_253 = arith.index_cast %add3A_230 : i32 to index
        %get3A_254 = arith.constant 16 : index
        %get3A_255 = tpu.vector_load %arg11[%get3A_253, %get3A_254] {strides = array<i32>} : memref<128x128xf32, #tpu.memory_space<vmem>>, vector<1x16xf32>,
        %get3A_256 = vector.shape_cast %get3A_255 : vector<1x16xf32> to vector<16xf32>
        %mul3A_257 = arith.mulf %get3A_256, %gather3A_242 : vector<16xf32>
        %swap3A_258 = arith.index_cast %add3A_230 : i32 to index
        %swap3A_259 = arith.constant 16 : index
        %swap3A_260 = tpu.vector_load %arg11[%swap3A_258, %swap3A_259] {strides = array<i32>} : memref<128x128xf32, #tpu.memory_space<vmem>>, vector<1x16xf32>,
        %swap3A_261 = vector.shape_cast %swap3A_260 : vector<1x16xf32> to vector<16xf32>
        %swap3A_262 = vector.shape_cast %mul3A_257 : vector<16xf32> to vector<1x16xf32>
        tpu.vector_store %arg11[%swap3A_258, %swap3A_259], %swap3A_262 {strides = array<i32>} : memref<128x128xf32, #tpu.memory_space<vmem>>, vector<1x16xf32>,
        %get3A_263 = arith.index_cast %add3A_230 : i32 to index
        %get3A_264 = arith.constant 32 : index
        %get3A_265 = tpu.vector_load %arg11[%get3A_263, %get3A_264] {strides = array<i32>} : memref<128x128xf32, #tpu.memory_space<vmem>>, vector<1x16xf32>,
        %get3A_266 = vector.shape_cast %get3A_265 : vector<1x16xf32> to vector<16xf32>
        %mul3A_267 = arith.mulf %get3A_266, %gather3A_242 : vector<16xf32>
        %swap3A_268 = arith.index_cast %add3A_230 : i32 to index
        %swap3A_269 = arith.constant 32 : index
        %swap3A_270 = tpu.vector_load %arg11[%swap3A_268, %swap3A_269] {strides = array<i32>} : memref<128x128xf32, #tpu.memory_space<vmem>>, vector<1x16xf32>,
        %swap3A_271 = vector.shape_cast %swap3A_270 : vector<1x16xf32> to vector<16xf32>
        %swap3A_272 = vector.shape_cast %mul3A_267 : vector<16xf32> to vector<1x16xf32>
        tpu.vector_store %arg11[%swap3A_268, %swap3A_269], %swap3A_272 {strides = array<i32>} : memref<128x128xf32, #tpu.memory_space<vmem>>, vector<1x16xf32>,
        %get3A_273 = arith.index_cast %add3A_230 : i32 to index
        %get3A_274 = arith.constant 48 : index
        %get3A_275 = tpu.vector_load %arg11[%get3A_273, %get3A_274] {strides = array<i32>} : memref<128x128xf32, #tpu.memory_space<vmem>>, vector<1x16xf32>,
        %get3A_276 = vector.shape_cast %get3A_275 : vector<1x16xf32> to vector<16xf32>
        %mul3A_277 = arith.mulf %get3A_276, %gather3A_242 : vector<16xf32>
        %swap3A_278 = arith.index_cast %add3A_230 : i32 to index
        %swap3A_279 = arith.constant 48 : index
        %swap3A_280 = tpu.vector_load %arg11[%swap3A_278, %swap3A_279] {strides = array<i32>} : memref<128x128xf32, #tpu.memory_space<vmem>>, vector<1x16xf32>,
        %swap3A_281 = vector.shape_cast %swap3A_280 : vector<1x16xf32> to vector<16xf32>
        %swap3A_282 = vector.shape_cast %mul3A_277 : vector<16xf32> to vector<1x16xf32>
        tpu.vector_store %arg11[%swap3A_278, %swap3A_279], %swap3A_282 {strides = array<i32>} : memref<128x128xf32, #tpu.memory_space<vmem>>, vector<1x16xf32>,
        %get3A_283 = arith.index_cast %add3A_230 : i32 to index
        %get3A_284 = arith.constant 64 : index
        %get3A_285 = tpu.vector_load %arg11[%get3A_283, %get3A_284] {strides = array<i32>} : memref<128x128xf32, #tpu.memory_space<vmem>>, vector<1x16xf32>,
        %get3A_286 = vector.shape_cast %get3A_285 : vector<1x16xf32> to vector<16xf32>
        %mul3A_287 = arith.mulf %get3A_286, %gather3A_242 : vector<16xf32>
        %swap3A_288 = arith.index_cast %add3A_230 : i32 to index
        %swap3A_289 = arith.constant 64 : index
        %swap3A_290 = tpu.vector_load %arg11[%swap3A_288, %swap3A_289] {strides = array<i32>} : memref<128x128xf32, #tpu.memory_space<vmem>>, vector<1x16xf32>,
        %swap3A_291 = vector.shape_cast %swap3A_290 : vector<1x16xf32> to vector<16xf32>
        %swap3A_292 = vector.shape_cast %mul3A_287 : vector<16xf32> to vector<1x16xf32>
        tpu.vector_store %arg11[%swap3A_288, %swap3A_289], %swap3A_292 {strides = array<i32>} : memref<128x128xf32, #tpu.memory_space<vmem>>, vector<1x16xf32>,
        %get3A_293 = arith.index_cast %add3A_230 : i32 to index
        %get3A_294 = arith.constant 80 : index
        %get3A_295 = tpu.vector_load %arg11[%get3A_293, %get3A_294] {strides = array<i32>} : memref<128x128xf32, #tpu.memory_space<vmem>>, vector<1x16xf32>,
        %get3A_296 = vector.shape_cast %get3A_295 : vector<1x16xf32> to vector<16xf32>
        %mul3A_297 = arith.mulf %get3A_296, %gather3A_242 : vector<16xf32>
        %swap3A_298 = arith.index_cast %add3A_230 : i32 to index
        %swap3A_299 = arith.constant 80 : index
        %swap3A_300 = tpu.vector_load %arg11[%swap3A_298, %swap3A_299] {strides = array<i32>} : memref<128x128xf32, #tpu.memory_space<vmem>>, vector<1x16xf32>,
        %swap3A_301 = vector.shape_cast %swap3A_300 : vector<1x16xf32> to vector<16xf32>
        %swap3A_302 = vector.shape_cast %mul3A_297 : vector<16xf32> to vector<1x16xf32>
        tpu.vector_store %arg11[%swap3A_298, %swap3A_299], %swap3A_302 {strides = array<i32>} : memref<128x128xf32, #tpu.memory_space<vmem>>, vector<1x16xf32>,
        %get3A_303 = arith.index_cast %add3A_230 : i32 to index
        %get3A_304 = arith.constant 96 : index
        %get3A_305 = tpu.vector_load %arg11[%get3A_303, %get3A_304] {strides = array<i32>} : memref<128x128xf32, #tpu.memory_space<vmem>>, vector<1x16xf32>,
        %get3A_306 = vector.shape_cast %get3A_305 : vector<1x16xf32> to vector<16xf32>
        %mul3A_307 = arith.mulf %get3A_306, %gather3A_242 : vector<16xf32>
        %swap3A_308 = arith.index_cast %add3A_230 : i32 to index
        %swap3A_309 = arith.constant 96 : index
        %swap3A_310 = tpu.vector_load %arg11[%swap3A_308, %swap3A_309] {strides = array<i32>} : memref<128x128xf32, #tpu.memory_space<vmem>>, vector<1x16xf32>,
        %swap3A_311 = vector.shape_cast %swap3A_310 : vector<1x16xf32> to vector<16xf32>
        %swap3A_312 = vector.shape_cast %mul3A_307 : vector<16xf32> to vector<1x16xf32>
        tpu.vector_store %arg11[%swap3A_308, %swap3A_309], %swap3A_312 {strides = array<i32>} : memref<128x128xf32, #tpu.memory_space<vmem>>, vector<1x16xf32>,
        %get3A_313 = arith.index_cast %add3A_230 : i32 to index
        %get3A_314 = arith.constant 112 : index
        %get3A_315 = tpu.vector_load %arg11[%get3A_313, %get3A_314] {strides = array<i32>} : memref<128x128xf32, #tpu.memory_space<vmem>>, vector<1x16xf32>,
        %get3A_316 = vector.shape_cast %get3A_315 : vector<1x16xf32> to vector<16xf32>
        %mul3A_317 = arith.mulf %get3A_316, %gather3A_242 : vector<16xf32>
        %swap3A_318 = arith.index_cast %add3A_230 : i32 to index
        %swap3A_319 = arith.constant 112 : index
        %swap3A_320 = tpu.vector_load %arg11[%swap3A_318, %swap3A_319] {strides = array<i32>} : memref<128x128xf32, #tpu.memory_space<vmem>>, vector<1x16xf32>,
        %swap3A_321 = vector.shape_cast %swap3A_320 : vector<1x16xf32> to vector<16xf32>
        %swap3A_322 = vector.shape_cast %mul3A_317 : vector<16xf32> to vector<1x16xf32>
        tpu.vector_store %arg11[%swap3A_318, %swap3A_319], %swap3A_322 {strides = array<i32>} : memref<128x128xf32, #tpu.memory_space<vmem>>, vector<1x16xf32>,
        %mul3A_323 = arith.constant 16 : i32
        %mul3A_324 = arith.muli %scan3A_34, %mul3A_323 : i32
        %add3A_325 = arith.constant 3 : i32
        %add3A_326 = arith.addi %mul3A_324, %add3A_325 : i32
        %broadcast_in_dim3A_327 = arith.constant 3 : i32
        %broadcast_in_dim3A_328 = vector.broadcast %broadcast_in_dim3A_327 : i32 to vector<16xi32>
        %lt3A_329 = arith.constant 0 : i32
        %lt3A_330 = vector.broadcast %lt3A_329 : i32 to vector<16xi32>
        %lt3A_331 = arith.cmpi slt, %broadcast_in_dim3A_328, %lt3A_330 : vector<16xi32>
        %add3A_332 = arith.constant 16 : i32
        %add3A_333 = vector.broadcast %add3A_332 : i32 to vector<16xi32>
        %add3A_334 = arith.addi %broadcast_in_dim3A_328, %add3A_333 : vector<16xi32>
        %select_n3A_335 = arith.select %lt3A_331, %add3A_334, %broadcast_in_dim3A_328 : vector<16xi1>, vector<16xi32>
        %broadcast_in_dim3A_336 = vector.shape_cast %select_n3A_335 : vector<16xi32> to vector<16x1xi32>
        %gather3A_337 = vector.shape_cast %broadcast_in_dim3A_336 : vector<16x1xi32> to vector<16xi32>
        %gather3A_338 = tpu.dynamic_gather %get3A_39[%gather3A_337] in [0] : vector<16xf32>, vector<16xi32> -> vector<16xf32>
        %get3A_339 = arith.index_cast %add3A_326 : i32 to index
        %get3A_340 = arith.constant 0 : index
        %get3A_341 = tpu.vector_load %arg11[%get3A_339, %get3A_340] {strides = array<i32>} : memref<128x128xf32, #tpu.memory_space<vmem>>, vector<1x16xf32>,
        %get3A_342 = vector.shape_cast %get3A_341 : vector<1x16xf32> to vector<16xf32>
        %mul3A_343 = arith.mulf %get3A_342, %gather3A_338 : vector<16xf32>
        %swap3A_344 = arith.index_cast %add3A_326 : i32 to index
        %swap3A_345 = arith.constant 0 : index
        %swap3A_346 = tpu.vector_load %arg11[%swap3A_344, %swap3A_345] {strides = array<i32>} : memref<128x128xf32, #tpu.memory_space<vmem>>, vector<1x16xf32>,
        %swap3A_347 = vector.shape_cast %swap3A_346 : vector<1x16xf32> to vector<16xf32>
        %swap3A_348 = vector.shape_cast %mul3A_343 : vector<16xf32> to vector<1x16xf32>
        tpu.vector_store %arg11[%swap3A_344, %swap3A_345], %swap3A_348 {strides = array<i32>} : memref<128x128xf32, #tpu.memory_space<vmem>>, vector<1x16xf32>,
        %get3A_349 = arith.index_cast %add3A_326 : i32 to index
        %get3A_350 = arith.constant 16 : index
        %get3A_351 = tpu.vector_load %arg11[%get3A_349, %get3A_350] {strides = array<i32>} : memref<128x128xf32, #tpu.memory_space<vmem>>, vector<1x16xf32>,
        %get3A_352 = vector.shape_cast %get3A_351 : vector<1x16xf32> to vector<16xf32>
        %mul3A_353 = arith.mulf %get3A_352, %gather3A_338 : vector<16xf32>
        %swap3A_354 = arith.index_cast %add3A_326 : i32 to index
        %swap3A_355 = arith.constant 16 : index
        %swap3A_356 = tpu.vector_load %arg11[%swap3A_354, %swap3A_355] {strides = array<i32>} : memref<128x128xf32, #tpu.memory_space<vmem>>, vector<1x16xf32>,
        %swap3A_357 = vector.shape_cast %swap3A_356 : vector<1x16xf32> to vector<16xf32>
        %swap3A_358 = vector.shape_cast %mul3A_353 : vector<16xf32> to vector<1x16xf32>
        tpu.vector_store %arg11[%swap3A_354, %swap3A_355], %swap3A_358 {strides = array<i32>} : memref<128x128xf32, #tpu.memory_space<vmem>>, vector<1x16xf32>,
        %get3A_359 = arith.index_cast %add3A_326 : i32 to index
        %get3A_360 = arith.constant 32 : index
        %get3A_361 = tpu.vector_load %arg11[%get3A_359, %get3A_360] {strides = array<i32>} : memref<128x128xf32, #tpu.memory_space<vmem>>, vector<1x16xf32>,
        %get3A_362 = vector.shape_cast %get3A_361 : vector<1x16xf32> to vector<16xf32>
        %mul3A_363 = arith.mulf %get3A_362, %gather3A_338 : vector<16xf32>
        %swap3A_364 = arith.index_cast %add3A_326 : i32 to index
        %swap3A_365 = arith.constant 32 : index
        %swap3A_366 = tpu.vector_load %arg11[%swap3A_364, %swap3A_365] {strides = array<i32>} : memref<128x128xf32, #tpu.memory_space<vmem>>, vector<1x16xf32>,
        %swap3A_367 = vector.shape_cast %swap3A_366 : vector<1x16xf32> to vector<16xf32>
        %swap3A_368 = vector.shape_cast %mul3A_363 : vector<16xf32> to vector<1x16xf32>
        tpu.vector_store %arg11[%swap3A_364, %swap3A_365], %swap3A_368 {strides = array<i32>} : memref<128x128xf32, #tpu.memory_space<vmem>>, vector<1x16xf32>,
        %get3A_369 = arith.index_cast %add3A_326 : i32 to index
        %get3A_370 = arith.constant 48 : index
        %get3A_371 = tpu.vector_load %arg11[%get3A_369, %get3A_370] {strides = array<i32>} : memref<128x128xf32, #tpu.memory_space<vmem>>, vector<1x16xf32>,
        %get3A_372 = vector.shape_cast %get3A_371 : vector<1x16xf32> to vector<16xf32>
        %mul3A_373 = arith.mulf %get3A_372, %gather3A_338 : vector<16xf32>
        %swap3A_374 = arith.index_cast %add3A_326 : i32 to index
        %swap3A_375 = arith.constant 48 : index
        %swap3A_376 = tpu.vector_load %arg11[%swap3A_374, %swap3A_375] {strides = array<i32>} : memref<128x128xf32, #tpu.memory_space<vmem>>, vector<1x16xf32>,
        %swap3A_377 = vector.shape_cast %swap3A_376 : vector<1x16xf32> to vector<16xf32>
        %swap3A_378 = vector.shape_cast %mul3A_373 : vector<16xf32> to vector<1x16xf32>
        tpu.vector_store %arg11[%swap3A_374, %swap3A_375], %swap3A_378 {strides = array<i32>} : memref<128x128xf32, #tpu.memory_space<vmem>>, vector<1x16xf32>,
        %get3A_379 = arith.index_cast %add3A_326 : i32 to index
        %get3A_380 = arith.constant 64 : index
        %get3A_381 = tpu.vector_load %arg11[%get3A_379, %get3A_380] {strides = array<i32>} : memref<128x128xf32, #tpu.memory_space<vmem>>, vector<1x16xf32>,
        %get3A_382 = vector.shape_cast %get3A_381 : vector<1x16xf32> to vector<16xf32>
        %mul3A_383 = arith.mulf %get3A_382, %gather3A_338 : vector<16xf32>
        %swap3A_384 = arith.index_cast %add3A_326 : i32 to index
        %swap3A_385 = arith.constant 64 : index
        %swap3A_386 = tpu.vector_load %arg11[%swap3A_384, %swap3A_385] {strides = array<i32>} : memref<128x128xf32, #tpu.memory_space<vmem>>, vector<1x16xf32>,
        %swap3A_387 = vector.shape_cast %swap3A_386 : vector<1x16xf32> to vector<16xf32>
        %swap3A_388 = vector.shape_cast %mul3A_383 : vector<16xf32> to vector<1x16xf32>
        tpu.vector_store %arg11[%swap3A_384, %swap3A_385], %swap3A_388 {strides = array<i32>} : memref<128x128xf32, #tpu.memory_space<vmem>>, vector<1x16xf32>,
        %get3A_389 = arith.index_cast %add3A_326 : i32 to index
        %get3A_390 = arith.constant 80 : index
        %get3A_391 = tpu.vector_load %arg11[%get3A_389, %get3A_390] {strides = array<i32>} : memref<128x128xf32, #tpu.memory_space<vmem>>, vector<1x16xf32>,
        %get3A_392 = vector.shape_cast %get3A_391 : vector<1x16xf32> to vector<16xf32>
        %mul3A_393 = arith.mulf %get3A_392, %gather3A_338 : vector<16xf32>
        %swap3A_394 = arith.index_cast %add3A_326 : i32 to index
        %swap3A_395 = arith.constant 80 : index
        %swap3A_396 = tpu.vector_load %arg11[%swap3A_394, %swap3A_395] {strides = array<i32>} : memref<128x128xf32, #tpu.memory_space<vmem>>, vector<1x16xf32>,
        %swap3A_397 = vector.shape_cast %swap3A_396 : vector<1x16xf32> to vector<16xf32>
        %swap3A_398 = vector.shape_cast %mul3A_393 : vector<16xf32> to vector<1x16xf32>
        tpu.vector_store %arg11[%swap3A_394, %swap3A_395], %swap3A_398 {strides = array<i32>} : memref<128x128xf32, #tpu.memory_space<vmem>>, vector<1x16xf32>,
        %get3A_399 = arith.index_cast %add3A_326 : i32 to index
        %get3A_400 = arith.constant 96 : index
        %get3A_401 = tpu.vector_load %arg11[%get3A_399, %get3A_400] {strides = array<i32>} : memref<128x128xf32, #tpu.memory_space<vmem>>, vector<1x16xf32>,
        %get3A_402 = vector.shape_cast %get3A_401 : vector<1x16xf32> to vector<16xf32>
        %mul3A_403 = arith.mulf %get3A_402, %gather3A_338 : vector<16xf32>
        %swap3A_404 = arith.index_cast %add3A_326 : i32 to index
        %swap3A_405 = arith.constant 96 : index
        %swap3A_406 = tpu.vector_load %arg11[%swap3A_404, %swap3A_405] {strides = array<i32>} : memref<128x128xf32, #tpu.memory_space<vmem>>, vector<1x16xf32>,
        %swap3A_407 = vector.shape_cast %swap3A_406 : vector<1x16xf32> to vector<16xf32>
        %swap3A_408 = vector.shape_cast %mul3A_403 : vector<16xf32> to vector<1x16xf32>
        tpu.vector_store %arg11[%swap3A_404, %swap3A_405], %swap3A_408 {strides = array<i32>} : memref<128x128xf32, #tpu.memory_space<vmem>>, vector<1x16xf32>,
        %get3A_409 = arith.index_cast %add3A_326 : i32 to index
        %get3A_410 = arith.constant 112 : index
        %get3A_411 = tpu.vector_load %arg11[%get3A_409, %get3A_410] {strides = array<i32>} : memref<128x128xf32, #tpu.memory_space<vmem>>, vector<1x16xf32>,
        %get3A_412 = vector.shape_cast %get3A_411 : vector<1x16xf32> to vector<16xf32>
        %mul3A_413 = arith.mulf %get3A_412, %gather3A_338 : vector<16xf32>
        %swap3A_414 = arith.index_cast %add3A_326 : i32 to index
        %swap3A_415 = arith.constant 112 : index
        %swap3A_416 = tpu.vector_load %arg11[%swap3A_414, %swap3A_415] {strides = array<i32>} : memref<128x128xf32, #tpu.memory_space<vmem>>, vector<1x16xf32>,
        %swap3A_417 = vector.shape_cast %swap3A_416 : vector<1x16xf32> to vector<16xf32>
        %swap3A_418 = vector.shape_cast %mul3A_413 : vector<16xf32> to vector<1x16xf32>
        tpu.vector_store %arg11[%swap3A_414, %swap3A_415], %swap3A_418 {strides = array<i32>} : memref<128x128xf32, #tpu.memory_space<vmem>>, vector<1x16xf32>,
        %mul3A_419 = arith.constant 16 : i32
        %mul3A_420 = arith.muli %scan3A_34, %mul3A_419 : i32
        %add3A_421 = arith.constant 4 : i32
        %add3A_422 = arith.addi %mul3A_420, %add3A_421 : i32
        %broadcast_in_dim3A_423 = arith.constant 4 : i32
        %broadcast_in_dim3A_424 = vector.broadcast %broadcast_in_dim3A_423 : i32 to vector<16xi32>
        %lt3A_425 = arith.constant 0 : i32
        %lt3A_426 = vector.broadcast %lt3A_425 : i32 to vector<16xi32>
        %lt3A_427 = arith.cmpi slt, %broadcast_in_dim3A_424, %lt3A_426 : vector<16xi32>
        %add3A_428 = arith.constant 16 : i32
        %add3A_429 = vector.broadcast %add3A_428 : i32 to vector<16xi32>
        %add3A_430 = arith.addi %broadcast_in_dim3A_424, %add3A_429 : vector<16xi32>
        %select_n3A_431 = arith.select %lt3A_427, %add3A_430, %broadcast_in_dim3A_424 : vector<16xi1>, vector<16xi32>
        %broadcast_in_dim3A_432 = vector.shape_cast %select_n3A_431 : vector<16xi32> to vector<16x1xi32>
        %gather3A_433 = vector.shape_cast %broadcast_in_dim3A_432 : vector<16x1xi32> to vector<16xi32>
        %gather3A_434 = tpu.dynamic_gather %get3A_39[%gather3A_433] in [0] : vector<16xf32>, vector<16xi32> -> vector<16xf32>
        %get3A_435 = arith.index_cast %add3A_422 : i32 to index
        %get3A_436 = arith.constant 0 : index
        %get3A_437 = tpu.vector_load %arg11[%get3A_435, %get3A_436] {strides = array<i32>} : memref<128x128xf32, #tpu.memory_space<vmem>>, vector<1x16xf32>,
        %get3A_438 = vector.shape_cast %get3A_437 : vector<1x16xf32> to vector<16xf32>
        %mul3A_439 = arith.mulf %get3A_438, %gather3A_434 : vector<16xf32>
        %swap3A_440 = arith.index_cast %add3A_422 : i32 to index
        %swap3A_441 = arith.constant 0 : index
        %swap3A_442 = tpu.vector_load %arg11[%swap3A_440, %swap3A_441] {strides = array<i32>} : memref<128x128xf32, #tpu.memory_space<vmem>>, vector<1x16xf32>,
        %swap3A_443 = vector.shape_cast %swap3A_442 : vector<1x16xf32> to vector<16xf32>
        %swap3A_444 = vector.shape_cast %mul3A_439 : vector<16xf32> to vector<1x16xf32>
        tpu.vector_store %arg11[%swap3A_440, %swap3A_441], %swap3A_444 {strides = array<i32>} : memref<128x128xf32, #tpu.memory_space<vmem>>, vector<1x16xf32>,
        %get3A_445 = arith.index_cast %add3A_422 : i32 to index
        %get3A_446 = arith.constant 16 : index
        %get3A_447 = tpu.vector_load %arg11[%get3A_445, %get3A_446] {strides = array<i32>} : memref<128x128xf32, #tpu.memory_space<vmem>>, vector<1x16xf32>,
        %get3A_448 = vector.shape_cast %get3A_447 : vector<1x16xf32> to vector<16xf32>
        %mul3A_449 = arith.mulf %get3A_448, %gather3A_434 : vector<16xf32>
        %swap3A_450 = arith.index_cast %add3A_422 : i32 to index
        %swap3A_451 = arith.constant 16 : index
        %swap3A_452 = tpu.vector_load %arg11[%swap3A_450, %swap3A_451] {strides = array<i32>} : memref<128x128xf32, #tpu.memory_space<vmem>>, vector<1x16xf32>,
        %swap3A_453 = vector.shape_cast %swap3A_452 : vector<1x16xf32> to vector<16xf32>
        %swap3A_454 = vector.shape_cast %mul3A_449 : vector<16xf32> to vector<1x16xf32>
        tpu.vector_store %arg11[%swap3A_450, %swap3A_451], %swap3A_454 {strides = array<i32>} : memref<128x128xf32, #tpu.memory_space<vmem>>, vector<1x16xf32>,
        %get3A_455 = arith.index_cast %add3A_422 : i32 to index
        %get3A_456 = arith.constant 32 : index
        %get3A_457 = tpu.vector_load %arg11[%get3A_455, %get3A_456] {strides = array<i32>} : memref<128x128xf32, #tpu.memory_space<vmem>>, vector<1x16xf32>,
        %get3A_458 = vector.shape_cast %get3A_457 : vector<1x16xf32> to vector<16xf32>
        %mul3A_459 = arith.mulf %get3A_458, %gather3A_434 : vector<16xf32>
        %swap3A_460 = arith.index_cast %add3A_422 : i32 to index
        %swap3A_461 = arith.constant 32 : index
        %swap3A_462 = tpu.vector_load %arg11[%swap3A_460, %swap3A_461] {strides = array<i32>} : memref<128x128xf32, #tpu.memory_space<vmem>>, vector<1x16xf32>,
        %swap3A_463 = vector.shape_cast %swap3A_462 : vector<1x16xf32> to vector<16xf32>
        %swap3A_464 = vector.shape_cast %mul3A_459 : vector<16xf32> to vector<1x16xf32>
        tpu.vector_store %arg11[%swap3A_460, %swap3A_461], %swap3A_464 {strides = array<i32>} : memref<128x128xf32, #tpu.memory_space<vmem>>, vector<1x16xf32>,
        %get3A_465 = arith.index_cast %add3A_422 : i32 to index
        %get3A_466 = arith.constant 48 : index
        %get3A_467 = tpu.vector_load %arg11[%get3A_465, %get3A_466] {strides = array<i32>} : memref<128x128xf32, #tpu.memory_space<vmem>>, vector<1x16xf32>,
        %get3A_468 = vector.shape_cast %get3A_467 : vector<1x16xf32> to vector<16xf32>
        %mul3A_469 = arith.mulf %get3A_468, %gather3A_434 : vector<16xf32>
        %swap3A_470 = arith.index_cast %add3A_422 : i32 to index
        %swap3A_471 = arith.constant 48 : index
        %swap3A_472 = tpu.vector_load %arg11[%swap3A_470, %swap3A_471] {strides = array<i32>} : memref<128x128xf32, #tpu.memory_space<vmem>>, vector<1x16xf32>,
        %swap3A_473 = vector.shape_cast %swap3A_472 : vector<1x16xf32> to vector<16xf32>
        %swap3A_474 = vector.shape_cast %mul3A_469 : vector<16xf32> to vector<1x16xf32>
        tpu.vector_store %arg11[%swap3A_470, %swap3A_471], %swap3A_474 {strides = array<i32>} : memref<128x128xf32, #tpu.memory_space<vmem>>, vector<1x16xf32>,
        %get3A_475 = arith.index_cast %add3A_422 : i32 to index
        %get3A_476 = arith.constant 64 : index
        %get3A_477 = tpu.vector_load %arg11[%get3A_475, %get3A_476] {strides = array<i32>} : memref<128x128xf32, #tpu.memory_space<vmem>>, vector<1x16xf32>,
        %get3A_478 = vector.shape_cast %get3A_477 : vector<1x16xf32> to vector<16xf32>
        %mul3A_479 = arith.mulf %get3A_478, %gather3A_434 : vector<16xf32>
        %swap3A_480 = arith.index_cast %add3A_422 : i32 to index
        %swap3A_481 = arith.constant 64 : index
        %swap3A_482 = tpu.vector_load %arg11[%swap3A_480, %swap3A_481] {strides = array<i32>} : memref<128x128xf32, #tpu.memory_space<vmem>>, vector<1x16xf32>,
        %swap3A_483 = vector.shape_cast %swap3A_482 : vector<1x16xf32> to vector<16xf32>
        %swap3A_484 = vector.shape_cast %mul3A_479 : vector<16xf32> to vector<1x16xf32>
        tpu.vector_store %arg11[%swap3A_480, %swap3A_481], %swap3A_484 {strides = array<i32>} : memref<128x128xf32, #tpu.memory_space<vmem>>, vector<1x16xf32>,
        %get3A_485 = arith.index_cast %add3A_422 : i32 to index
        %get3A_486 = arith.constant 80 : index
        %get3A_487 = tpu.vector_load %arg11[%get3A_485, %get3A_486] {strides = array<i32>} : memref<128x128xf32, #tpu.memory_space<vmem>>, vector<1x16xf32>,
        %get3A_488 = vector.shape_cast %get3A_487 : vector<1x16xf32> to vector<16xf32>
        %mul3A_489 = arith.mulf %get3A_488, %gather3A_434 : vector<16xf32>
        %swap3A_490 = arith.index_cast %add3A_422 : i32 to index
        %swap3A_491 = arith.constant 80 : index
        %swap3A_492 = tpu.vector_load %arg11[%swap3A_490, %swap3A_491] {strides = array<i32>} : memref<128x128xf32, #tpu.memory_space<vmem>>, vector<1x16xf32>,
        %swap3A_493 = vector.shape_cast %swap3A_492 : vector<1x16xf32> to vector<16xf32>
        %swap3A_494 = vector.shape_cast %mul3A_489 : vector<16xf32> to vector<1x16xf32>
        tpu.vector_store %arg11[%swap3A_490, %swap3A_491], %swap3A_494 {strides = array<i32>} : memref<128x128xf32, #tpu.memory_space<vmem>>, vector<1x16xf32>,
        %get3A_495 = arith.index_cast %add3A_422 : i32 to index
        %get3A_496 = arith.constant 96 : index
        %get3A_497 = tpu.vector_load %arg11[%get3A_495, %get3A_496] {strides = array<i32>} : memref<128x128xf32, #tpu.memory_space<vmem>>, vector<1x16xf32>,
        %get3A_498 = vector.shape_cast %get3A_497 : vector<1x16xf32> to vector<16xf32>
        %mul3A_499 = arith.mulf %get3A_498, %gather3A_434 : vector<16xf32>
        %swap3A_500 = arith.index_cast %add3A_422 : i32 to index
        %swap3A_501 = arith.constant 96 : index
        %swap3A_502 = tpu.vector_load %arg11[%swap3A_500, %swap3A_501] {strides = array<i32>} : memref<128x128xf32, #tpu.memory_space<vmem>>, vector<1x16xf32>,
        %swap3A_503 = vector.shape_cast %swap3A_502 : vector<1x16xf32> to vector<16xf32>
        %swap3A_504 = vector.shape_cast %mul3A_499 : vector<16xf32> to vector<1x16xf32>
        tpu.vector_store %arg11[%swap3A_500, %swap3A_501], %swap3A_504 {strides = array<i32>} : memref<128x128xf32, #tpu.memory_space<vmem>>, vector<1x16xf32>,
        %get3A_505 = arith.index_cast %add3A_422 : i32 to index
        %get3A_506 = arith.constant 112 : index
        %get3A_507 = tpu.vector_load %arg11[%get3A_505, %get3A_506] {strides = array<i32>} : memref<128x128xf32, #tpu.memory_space<vmem>>, vector<1x16xf32>,
        %get3A_508 = vector.shape_cast %get3A_507 : vector<1x16xf32> to vector<16xf32>
        %mul3A_509 = arith.mulf %get3A_508, %gather3A_434 : vector<16xf32>
        %swap3A_510 = arith.index_cast %add3A_422 : i32 to index
        %swap3A_511 = arith.constant 112 : index
        %swap3A_512 = tpu.vector_load %arg11[%swap3A_510, %swap3A_511] {strides = array<i32>} : memref<128x128xf32, #tpu.memory_space<vmem>>, vector<1x16xf32>,
        %swap3A_513 = vector.shape_cast %swap3A_512 : vector<1x16xf32> to vector<16xf32>
        %swap3A_514 = vector.shape_cast %mul3A_509 : vector<16xf32> to vector<1x16xf32>
        tpu.vector_store %arg11[%swap3A_510, %swap3A_511], %swap3A_514 {strides = array<i32>} : memref<128x128xf32, #tpu.memory_space<vmem>>, vector<1x16xf32>,
        %mul3A_515 = arith.constant 16 : i32
        %mul3A_516 = arith.muli %scan3A_34, %mul3A_515 : i32
        %add3A_517 = arith.constant 5 : i32
        %add3A_518 = arith.addi %mul3A_516, %add3A_517 : i32
        %broadcast_in_dim3A_519 = arith.constant 5 : i32
        %broadcast_in_dim3A_520 = vector.broadcast %broadcast_in_dim3A_519 : i32 to vector<16xi32>
        %lt3A_521 = arith.constant 0 : i32
        %lt3A_522 = vector.broadcast %lt3A_521 : i32 to vector<16xi32>
        %lt3A_523 = arith.cmpi slt, %broadcast_in_dim3A_520, %lt3A_522 : vector<16xi32>
        %add3A_524 = arith.constant 16 : i32
        %add3A_525 = vector.broadcast %add3A_524 : i32 to vector<16xi32>
        %add3A_526 = arith.addi %broadcast_in_dim3A_520, %add3A_525 : vector<16xi32>
        %select_n3A_527 = arith.select %lt3A_523, %add3A_526, %broadcast_in_dim3A_520 : vector<16xi1>, vector<16xi32>
        %broadcast_in_dim3A_528 = vector.shape_cast %select_n3A_527 : vector<16xi32> to vector<16x1xi32>
        %gather3A_529 = vector.shape_cast %broadcast_in_dim3A_528 : vector<16x1xi32> to vector<16xi32>
        %gather3A_530 = tpu.dynamic_gather %get3A_39[%gather3A_529] in [0] : vector<16xf32>, vector<16xi32> -> vector<16xf32>
        %get3A_531 = arith.index_cast %add3A_518 : i32 to index
        %get3A_532 = arith.constant 0 : index
        %get3A_533 = tpu.vector_load %arg11[%get3A_531, %get3A_532] {strides = array<i32>} : memref<128x128xf32, #tpu.memory_space<vmem>>, vector<1x16xf32>,
        %get3A_534 = vector.shape_cast %get3A_533 : vector<1x16xf32> to vector<16xf32>
        %mul3A_535 = arith.mulf %get3A_534, %gather3A_530 : vector<16xf32>
        %swap3A_536 = arith.index_cast %add3A_518 : i32 to index
        %swap3A_537 = arith.constant 0 : index
        %swap3A_538 = tpu.vector_load %arg11[%swap3A_536, %swap3A_537] {strides = array<i32>} : memref<128x128xf32, #tpu.memory_space<vmem>>, vector<1x16xf32>,
        %swap3A_539 = vector.shape_cast %swap3A_538 : vector<1x16xf32> to vector<16xf32>
        %swap3A_540 = vector.shape_cast %mul3A_535 : vector<16xf32> to vector<1x16xf32>
        tpu.vector_store %arg11[%swap3A_536, %swap3A_537], %swap3A_540 {strides = array<i32>} : memref<128x128xf32, #tpu.memory_space<vmem>>, vector<1x16xf32>,
        %get3A_541 = arith.index_cast %add3A_518 : i32 to index
        %get3A_542 = arith.constant 16 : index
        %get3A_543 = tpu.vector_load %arg11[%get3A_541, %get3A_542] {strides = array<i32>} : memref<128x128xf32, #tpu.memory_space<vmem>>, vector<1x16xf32>,
        %get3A_544 = vector.shape_cast %get3A_543 : vector<1x16xf32> to vector<16xf32>
        %mul3A_545 = arith.mulf %get3A_544, %gather3A_530 : vector<16xf32>
        %swap3A_546 = arith.index_cast %add3A_518 : i32 to index
        %swap3A_547 = arith.constant 16 : index
        %swap3A_548 = tpu.vector_load %arg11[%swap3A_546, %swap3A_547] {strides = array<i32>} : memref<128x128xf32, #tpu.memory_space<vmem>>, vector<1x16xf32>,
        %swap3A_549 = vector.shape_cast %swap3A_548 : vector<1x16xf32> to vector<16xf32>
        %swap3A_550 = vector.shape_cast %mul3A_545 : vector<16xf32> to vector<1x16xf32>
        tpu.vector_store %arg11[%swap3A_546, %swap3A_547], %swap3A_550 {strides = array<i32>} : memref<128x128xf32, #tpu.memory_space<vmem>>, vector<1x16xf32>,
        %get3A_551 = arith.index_cast %add3A_518 : i32 to index
        %get3A_552 = arith.constant 32 : index
        %get3A_553 = tpu.vector_load %arg11[%get3A_551, %get3A_552] {strides = array<i32>} : memref<128x128xf32, #tpu.memory_space<vmem>>, vector<1x16xf32>,
        %get3A_554 = vector.shape_cast %get3A_553 : vector<1x16xf32> to vector<16xf32>
        %mul3A_555 = arith.mulf %get3A_554, %gather3A_530 : vector<16xf32>
        %swap3A_556 = arith.index_cast %add3A_518 : i32 to index
        %swap3A_557 = arith.constant 32 : index
        %swap3A_558 = tpu.vector_load %arg11[%swap3A_556, %swap3A_557] {strides = array<i32>} : memref<128x128xf32, #tpu.memory_space<vmem>>, vector<1x16xf32>,
        %swap3A_559 = vector.shape_cast %swap3A_558 : vector<1x16xf32> to vector<16xf32>
        %swap3A_560 = vector.shape_cast %mul3A_555 : vector<16xf32> to vector<1x16xf32>
        tpu.vector_store %arg11[%swap3A_556, %swap3A_557], %swap3A_560 {strides = array<i32>} : memref<128x128xf32, #tpu.memory_space<vmem>>, vector<1x16xf32>,
        %get3A_561 = arith.index_cast %add3A_518 : i32 to index
        %get3A_562 = arith.constant 48 : index
        %get3A_563 = tpu.vector_load %arg11[%get3A_561, %get3A_562] {strides = array<i32>} : memref<128x128xf32, #tpu.memory_space<vmem>>, vector<1x16xf32>,
        %get3A_564 = vector.shape_cast %get3A_563 : vector<1x16xf32> to vector<16xf32>
        %mul3A_565 = arith.mulf %get3A_564, %gather3A_530 : vector<16xf32>
        %swap3A_566 = arith.index_cast %add3A_518 : i32 to index
        %swap3A_567 = arith.constant 48 : index
        %swap3A_568 = tpu.vector_load %arg11[%swap3A_566, %swap3A_567] {strides = array<i32>} : memref<128x128xf32, #tpu.memory_space<vmem>>, vector<1x16xf32>,
        %swap3A_569 = vector.shape_cast %swap3A_568 : vector<1x16xf32> to vector<16xf32>
        %swap3A_570 = vector.shape_cast %mul3A_565 : vector<16xf32> to vector<1x16xf32>
        tpu.vector_store %arg11[%swap3A_566, %swap3A_567], %swap3A_570 {strides = array<i32>} : memref<128x128xf32, #tpu.memory_space<vmem>>, vector<1x16xf32>,
        %get3A_571 = arith.index_cast %add3A_518 : i32 to index
        %get3A_572 = arith.constant 64 : index
        %get3A_573 = tpu.vector_load %arg11[%get3A_571, %get3A_572] {strides = array<i32>} : memref<128x128xf32, #tpu.memory_space<vmem>>, vector<1x16xf32>,
        %get3A_574 = vector.shape_cast %get3A_573 : vector<1x16xf32> to vector<16xf32>
        %mul3A_575 = arith.mulf %get3A_574, %gather3A_530 : vector<16xf32>
        %swap3A_576 = arith.index_cast %add3A_518 : i32 to index
        %swap3A_577 = arith.constant 64 : index
        %swap3A_578 = tpu.vector_load %arg11[%swap3A_576, %swap3A_577] {strides = array<i32>} : memref<128x128xf32, #tpu.memory_space<vmem>>, vector<1x16xf32>,
        %swap3A_579 = vector.shape_cast %swap3A_578 : vector<1x16xf32> to vector<16xf32>
        %swap3A_580 = vector.shape_cast %mul3A_575 : vector<16xf32> to vector<1x16xf32>
        tpu.vector_store %arg11[%swap3A_576, %swap3A_577], %swap3A_580 {strides = array<i32>} : memref<128x128xf32, #tpu.memory_space<vmem>>, vector<1x16xf32>,
        %get3A_581 = arith.index_cast %add3A_518 : i32 to index
        %get3A_582 = arith.constant 80 : index
        %get3A_583 = tpu.vector_load %arg11[%get3A_581, %get3A_582] {strides = array<i32>} : memref<128x128xf32, #tpu.memory_space<vmem>>, vector<1x16xf32>,
        %get3A_584 = vector.shape_cast %get3A_583 : vector<1x16xf32> to vector<16xf32>
        %mul3A_585 = arith.mulf %get3A_584, %gather3A_530 : vector<16xf32>
        %swap3A_586 = arith.index_cast %add3A_518 : i32 to index
        %swap3A_587 = arith.constant 80 : index
        %swap3A_588 = tpu.vector_load %arg11[%swap3A_586, %swap3A_587] {strides = array<i32>} : memref<128x128xf32, #tpu.memory_space<vmem>>, vector<1x16xf32>,
        %swap3A_589 = vector.shape_cast %swap3A_588 : vector<1x16xf32> to vector<16xf32>
        %swap3A_590 = vector.shape_cast %mul3A_585 : vector<16xf32> to vector<1x16xf32>
        tpu.vector_store %arg11[%swap3A_586, %swap3A_587], %swap3A_590 {strides = array<i32>} : memref<128x128xf32, #tpu.memory_space<vmem>>, vector<1x16xf32>,
        %get3A_591 = arith.index_cast %add3A_518 : i32 to index
        %get3A_592 = arith.constant 96 : index
        %get3A_593 = tpu.vector_load %arg11[%get3A_591, %get3A_592] {strides = array<i32>} : memref<128x128xf32, #tpu.memory_space<vmem>>, vector<1x16xf32>,
        %get3A_594 = vector.shape_cast %get3A_593 : vector<1x16xf32> to vector<16xf32>
        %mul3A_595 = arith.mulf %get3A_594, %gather3A_530 : vector<16xf32>
        %swap3A_596 = arith.index_cast %add3A_518 : i32 to index
        %swap3A_597 = arith.constant 96 : index
        %swap3A_598 = tpu.vector_load %arg11[%swap3A_596, %swap3A_597] {strides = array<i32>} : memref<128x128xf32, #tpu.memory_space<vmem>>, vector<1x16xf32>,
        %swap3A_599 = vector.shape_cast %swap3A_598 : vector<1x16xf32> to vector<16xf32>
        %swap3A_600 = vector.shape_cast %mul3A_595 : vector<16xf32> to vector<1x16xf32>
        tpu.vector_store %arg11[%swap3A_596, %swap3A_597], %swap3A_600 {strides = array<i32>} : memref<128x128xf32, #tpu.memory_space<vmem>>, vector<1x16xf32>,
        %get3A_601 = arith.index_cast %add3A_518 : i32 to index
        %get3A_602 = arith.constant 112 : index
        %get3A_603 = tpu.vector_load %arg11[%get3A_601, %get3A_602] {strides = array<i32>} : memref<128x128xf32, #tpu.memory_space<vmem>>, vector<1x16xf32>,
        %get3A_604 = vector.shape_cast %get3A_603 : vector<1x16xf32> to vector<16xf32>
        %mul3A_605 = arith.mulf %get3A_604, %gather3A_530 : vector<16xf32>
        %swap3A_606 = arith.index_cast %add3A_518 : i32 to index
        %swap3A_607 = arith.constant 112 : index
        %swap3A_608 = tpu.vector_load %arg11[%swap3A_606, %swap3A_607] {strides = array<i32>} : memref<128x128xf32, #tpu.memory_space<vmem>>, vector<1x16xf32>,
        %swap3A_609 = vector.shape_cast %swap3A_608 : vector<1x16xf32> to vector<16xf32>
        %swap3A_610 = vector.shape_cast %mul3A_605 : vector<16xf32> to vector<1x16xf32>
        tpu.vector_store %arg11[%swap3A_606, %swap3A_607], %swap3A_610 {strides = array<i32>} : memref<128x128xf32, #tpu.memory_space<vmem>>, vector<1x16xf32>,
        %mul3A_611 = arith.constant 16 : i32
        %mul3A_612 = arith.muli %scan3A_34, %mul3A_611 : i32
        %add3A_613 = arith.constant 6 : i32
        %add3A_614 = arith.addi %mul3A_612, %add3A_613 : i32
        %broadcast_in_dim3A_615 = arith.constant 6 : i32
        %broadcast_in_dim3A_616 = vector.broadcast %broadcast_in_dim3A_615 : i32 to vector<16xi32>
        %lt3A_617 = arith.constant 0 : i32
        %lt3A_618 = vector.broadcast %lt3A_617 : i32 to vector<16xi32>
        %lt3A_619 = arith.cmpi slt, %broadcast_in_dim3A_616, %lt3A_618 : vector<16xi32>
        %add3A_620 = arith.constant 16 : i32
        %add3A_621 = vector.broadcast %add3A_620 : i32 to vector<16xi32>
        %add3A_622 = arith.addi %broadcast_in_dim3A_616, %add3A_621 : vector<16xi32>
        %select_n3A_623 = arith.select %lt3A_619, %add3A_622, %broadcast_in_dim3A_616 : vector<16xi1>, vector<16xi32>
        %broadcast_in_dim3A_624 = vector.shape_cast %select_n3A_623 : vector<16xi32> to vector<16x1xi32>
        %gather3A_625 = vector.shape_cast %broadcast_in_dim3A_624 : vector<16x1xi32> to vector<16xi32>
        %gather3A_626 = tpu.dynamic_gather %get3A_39[%gather3A_625] in [0] : vector<16xf32>, vector<16xi32> -> vector<16xf32>
        %get3A_627 = arith.index_cast %add3A_614 : i32 to index
        %get3A_628 = arith.constant 0 : index
        %get3A_629 = tpu.vector_load %arg11[%get3A_627, %get3A_628] {strides = array<i32>} : memref<128x128xf32, #tpu.memory_space<vmem>>, vector<1x16xf32>,
        %get3A_630 = vector.shape_cast %get3A_629 : vector<1x16xf32> to vector<16xf32>
        %mul3A_631 = arith.mulf %get3A_630, %gather3A_626 : vector<16xf32>
        %swap3A_632 = arith.index_cast %add3A_614 : i32 to index
        %swap3A_633 = arith.constant 0 : index
        %swap3A_634 = tpu.vector_load %arg11[%swap3A_632, %swap3A_633] {strides = array<i32>} : memref<128x128xf32, #tpu.memory_space<vmem>>, vector<1x16xf32>,
        %swap3A_635 = vector.shape_cast %swap3A_634 : vector<1x16xf32> to vector<16xf32>
        %swap3A_636 = vector.shape_cast %mul3A_631 : vector<16xf32> to vector<1x16xf32>
        tpu.vector_store %arg11[%swap3A_632, %swap3A_633], %swap3A_636 {strides = array<i32>} : memref<128x128xf32, #tpu.memory_space<vmem>>, vector<1x16xf32>,
        %get3A_637 = arith.index_cast %add3A_614 : i32 to index
        %get3A_638 = arith.constant 16 : index
        %get3A_639 = tpu.vector_load %arg11[%get3A_637, %get3A_638] {strides = array<i32>} : memref<128x128xf32, #tpu.memory_space<vmem>>, vector<1x16xf32>,
        %get3A_640 = vector.shape_cast %get3A_639 : vector<1x16xf32> to vector<16xf32>
        %mul3A_641 = arith.mulf %get3A_640, %gather3A_626 : vector<16xf32>
        %swap3A_642 = arith.index_cast %add3A_614 : i32 to index
        %swap3A_643 = arith.constant 16 : index
        %swap3A_644 = tpu.vector_load %arg11[%swap3A_642, %swap3A_643] {strides = array<i32>} : memref<128x128xf32, #tpu.memory_space<vmem>>, vector<1x16xf32>,
        %swap3A_645 = vector.shape_cast %swap3A_644 : vector<1x16xf32> to vector<16xf32>
        %swap3A_646 = vector.shape_cast %mul3A_641 : vector<16xf32> to vector<1x16xf32>
        tpu.vector_store %arg11[%swap3A_642, %swap3A_643], %swap3A_646 {strides = array<i32>} : memref<128x128xf32, #tpu.memory_space<vmem>>, vector<1x16xf32>,
        %get3A_647 = arith.index_cast %add3A_614 : i32 to index
        %get3A_648 = arith.constant 32 : index
        %get3A_649 = tpu.vector_load %arg11[%get3A_647, %get3A_648] {strides = array<i32>} : memref<128x128xf32, #tpu.memory_space<vmem>>, vector<1x16xf32>,
        %get3A_650 = vector.shape_cast %get3A_649 : vector<1x16xf32> to vector<16xf32>
        %mul3A_651 = arith.mulf %get3A_650, %gather3A_626 : vector<16xf32>
        %swap3A_652 = arith.index_cast %add3A_614 : i32 to index
        %swap3A_653 = arith.constant 32 : index
        %swap3A_654 = tpu.vector_load %arg11[%swap3A_652, %swap3A_653] {strides = array<i32>} : memref<128x128xf32, #tpu.memory_space<vmem>>, vector<1x16xf32>,
        %swap3A_655 = vector.shape_cast %swap3A_654 : vector<1x16xf32> to vector<16xf32>
        %swap3A_656 = vector.shape_cast %mul3A_651 : vector<16xf32> to vector<1x16xf32>
        tpu.vector_store %arg11[%swap3A_652, %swap3A_653], %swap3A_656 {strides = array<i32>} : memref<128x128xf32, #tpu.memory_space<vmem>>, vector<1x16xf32>,
        %get3A_657 = arith.index_cast %add3A_614 : i32 to index
        %get3A_658 = arith.constant 48 : index
        %get3A_659 = tpu.vector_load %arg11[%get3A_657, %get3A_658] {strides = array<i32>} : memref<128x128xf32, #tpu.memory_space<vmem>>, vector<1x16xf32>,
        %get3A_660 = vector.shape_cast %get3A_659 : vector<1x16xf32> to vector<16xf32>
        %mul3A_661 = arith.mulf %get3A_660, %gather3A_626 : vector<16xf32>
        %swap3A_662 = arith.index_cast %add3A_614 : i32 to index
        %swap3A_663 = arith.constant 48 : index
        %swap3A_664 = tpu.vector_load %arg11[%swap3A_662, %swap3A_663] {strides = array<i32>} : memref<128x128xf32, #tpu.memory_space<vmem>>, vector<1x16xf32>,
        %swap3A_665 = vector.shape_cast %swap3A_664 : vector<1x16xf32> to vector<16xf32>
        %swap3A_666 = vector.shape_cast %mul3A_661 : vector<16xf32> to vector<1x16xf32>
        tpu.vector_store %arg11[%swap3A_662, %swap3A_663], %swap3A_666 {strides = array<i32>} : memref<128x128xf32, #tpu.memory_space<vmem>>, vector<1x16xf32>,
        %get3A_667 = arith.index_cast %add3A_614 : i32 to index
        %get3A_668 = arith.constant 64 : index
        %get3A_669 = tpu.vector_load %arg11[%get3A_667, %get3A_668] {strides = array<i32>} : memref<128x128xf32, #tpu.memory_space<vmem>>, vector<1x16xf32>,
        %get3A_670 = vector.shape_cast %get3A_669 : vector<1x16xf32> to vector<16xf32>
        %mul3A_671 = arith.mulf %get3A_670, %gather3A_626 : vector<16xf32>
        %swap3A_672 = arith.index_cast %add3A_614 : i32 to index
        %swap3A_673 = arith.constant 64 : index
        %swap3A_674 = tpu.vector_load %arg11[%swap3A_672, %swap3A_673] {strides = array<i32>} : memref<128x128xf32, #tpu.memory_space<vmem>>, vector<1x16xf32>,
        %swap3A_675 = vector.shape_cast %swap3A_674 : vector<1x16xf32> to vector<16xf32>
        %swap3A_676 = vector.shape_cast %mul3A_671 : vector<16xf32> to vector<1x16xf32>
        tpu.vector_store %arg11[%swap3A_672, %swap3A_673], %swap3A_676 {strides = array<i32>} : memref<128x128xf32, #tpu.memory_space<vmem>>, vector<1x16xf32>,
        %get3A_677 = arith.index_cast %add3A_614 : i32 to index
        %get3A_678 = arith.constant 80 : index
        %get3A_679 = tpu.vector_load %arg11[%get3A_677, %get3A_678] {strides = array<i32>} : memref<128x128xf32, #tpu.memory_space<vmem>>, vector<1x16xf32>,
        %get3A_680 = vector.shape_cast %get3A_679 : vector<1x16xf32> to vector<16xf32>
        %mul3A_681 = arith.mulf %get3A_680, %gather3A_626 : vector<16xf32>
        %swap3A_682 = arith.index_cast %add3A_614 : i32 to index
        %swap3A_683 = arith.constant 80 : index
        %swap3A_684 = tpu.vector_load %arg11[%swap3A_682, %swap3A_683] {strides = array<i32>} : memref<128x128xf32, #tpu.memory_space<vmem>>, vector<1x16xf32>,
        %swap3A_685 = vector.shape_cast %swap3A_684 : vector<1x16xf32> to vector<16xf32>
        %swap3A_686 = vector.shape_cast %mul3A_681 : vector<16xf32> to vector<1x16xf32>
        tpu.vector_store %arg11[%swap3A_682, %swap3A_683], %swap3A_686 {strides = array<i32>} : memref<128x128xf32, #tpu.memory_space<vmem>>, vector<1x16xf32>,
        %get3A_687 = arith.index_cast %add3A_614 : i32 to index
        %get3A_688 = arith.constant 96 : index
        %get3A_689 = tpu.vector_load %arg11[%get3A_687, %get3A_688] {strides = array<i32>} : memref<128x128xf32, #tpu.memory_space<vmem>>, vector<1x16xf32>,
        %get3A_690 = vector.shape_cast %get3A_689 : vector<1x16xf32> to vector<16xf32>
        %mul3A_691 = arith.mulf %get3A_690, %gather3A_626 : vector<16xf32>
        %swap3A_692 = arith.index_cast %add3A_614 : i32 to index
        %swap3A_693 = arith.constant 96 : index
        %swap3A_694 = tpu.vector_load %arg11[%swap3A_692, %swap3A_693] {strides = array<i32>} : memref<128x128xf32, #tpu.memory_space<vmem>>, vector<1x16xf32>,
        %swap3A_695 = vector.shape_cast %swap3A_694 : vector<1x16xf32> to vector<16xf32>
        %swap3A_696 = vector.shape_cast %mul3A_691 : vector<16xf32> to vector<1x16xf32>
        tpu.vector_store %arg11[%swap3A_692, %swap3A_693], %swap3A_696 {strides = array<i32>} : memref<128x128xf32, #tpu.memory_space<vmem>>, vector<1x16xf32>,
        %get3A_697 = arith.index_cast %add3A_614 : i32 to index
        %get3A_698 = arith.constant 112 : index
        %get3A_699 = tpu.vector_load %arg11[%get3A_697, %get3A_698] {strides = array<i32>} : memref<128x128xf32, #tpu.memory_space<vmem>>, vector<1x16xf32>,
        %get3A_700 = vector.shape_cast %get3A_699 : vector<1x16xf32> to vector<16xf32>
        %mul3A_701 = arith.mulf %get3A_700, %gather3A_626 : vector<16xf32>
        %swap3A_702 = arith.index_cast %add3A_614 : i32 to index
        %swap3A_703 = arith.constant 112 : index
        %swap3A_704 = tpu.vector_load %arg11[%swap3A_702, %swap3A_703] {strides = array<i32>} : memref<128x128xf32, #tpu.memory_space<vmem>>, vector<1x16xf32>,
        %swap3A_705 = vector.shape_cast %swap3A_704 : vector<1x16xf32> to vector<16xf32>
        %swap3A_706 = vector.shape_cast %mul3A_701 : vector<16xf32> to vector<1x16xf32>
        tpu.vector_store %arg11[%swap3A_702, %swap3A_703], %swap3A_706 {strides = array<i32>} : memref<128x128xf32, #tpu.memory_space<vmem>>, vector<1x16xf32>,
        %mul3A_707 = arith.constant 16 : i32
        %mul3A_708 = arith.muli %scan3A_34, %mul3A_707 : i32
        %add3A_709 = arith.constant 7 : i32
        %add3A_710 = arith.addi %mul3A_708, %add3A_709 : i32
        %broadcast_in_dim3A_711 = arith.constant 7 : i32
        %broadcast_in_dim3A_712 = vector.broadcast %broadcast_in_dim3A_711 : i32 to vector<16xi32>
        %lt3A_713 = arith.constant 0 : i32
        %lt3A_714 = vector.broadcast %lt3A_713 : i32 to vector<16xi32>
        %lt3A_715 = arith.cmpi slt, %broadcast_in_dim3A_712, %lt3A_714 : vector<16xi32>
        %add3A_716 = arith.constant 16 : i32
        %add3A_717 = vector.broadcast %add3A_716 : i32 to vector<16xi32>
        %add3A_718 = arith.addi %broadcast_in_dim3A_712, %add3A_717 : vector<16xi32>
        %select_n3A_719 = arith.select %lt3A_715, %add3A_718, %broadcast_in_dim3A_712 : vector<16xi1>, vector<16xi32>
        %broadcast_in_dim3A_720 = vector.shape_cast %select_n3A_719 : vector<16xi32> to vector<16x1xi32>
        %gather3A_721 = vector.shape_cast %broadcast_in_dim3A_720 : vector<16x1xi32> to vector<16xi32>
        %gather3A_722 = tpu.dynamic_gather %get3A_39[%gather3A_721] in [0] : vector<16xf32>, vector<16xi32> -> vector<16xf32>
        %get3A_723 = arith.index_cast %add3A_710 : i32 to index
        %get3A_724 = arith.constant 0 : index
        %get3A_725 = tpu.vector_load %arg11[%get3A_723, %get3A_724] {strides = array<i32>} : memref<128x128xf32, #tpu.memory_space<vmem>>, vector<1x16xf32>,
        %get3A_726 = vector.shape_cast %get3A_725 : vector<1x16xf32> to vector<16xf32>
        %mul3A_727 = arith.mulf %get3A_726, %gather3A_722 : vector<16xf32>
        %swap3A_728 = arith.index_cast %add3A_710 : i32 to index
        %swap3A_729 = arith.constant 0 : index
        %swap3A_730 = tpu.vector_load %arg11[%swap3A_728, %swap3A_729] {strides = array<i32>} : memref<128x128xf32, #tpu.memory_space<vmem>>, vector<1x16xf32>,
        %swap3A_731 = vector.shape_cast %swap3A_730 : vector<1x16xf32> to vector<16xf32>
        %swap3A_732 = vector.shape_cast %mul3A_727 : vector<16xf32> to vector<1x16xf32>
        tpu.vector_store %arg11[%swap3A_728, %swap3A_729], %swap3A_732 {strides = array<i32>} : memref<128x128xf32, #tpu.memory_space<vmem>>, vector<1x16xf32>,
        %get3A_733 = arith.index_cast %add3A_710 : i32 to index
        %get3A_734 = arith.constant 16 : index
        %get3A_735 = tpu.vector_load %arg11[%get3A_733, %get3A_734] {strides = array<i32>} : memref<128x128xf32, #tpu.memory_space<vmem>>, vector<1x16xf32>,
        %get3A_736 = vector.shape_cast %get3A_735 : vector<1x16xf32> to vector<16xf32>
        %mul3A_737 = arith.mulf %get3A_736, %gather3A_722 : vector<16xf32>
        %swap3A_738 = arith.index_cast %add3A_710 : i32 to index
        %swap3A_739 = arith.constant 16 : index
        %swap3A_740 = tpu.vector_load %arg11[%swap3A_738, %swap3A_739] {strides = array<i32>} : memref<128x128xf32, #tpu.memory_space<vmem>>, vector<1x16xf32>,
        %swap3A_741 = vector.shape_cast %swap3A_740 : vector<1x16xf32> to vector<16xf32>
        %swap3A_742 = vector.shape_cast %mul3A_737 : vector<16xf32> to vector<1x16xf32>
        tpu.vector_store %arg11[%swap3A_738, %swap3A_739], %swap3A_742 {strides = array<i32>} : memref<128x128xf32, #tpu.memory_space<vmem>>, vector<1x16xf32>,
        %get3A_743 = arith.index_cast %add3A_710 : i32 to index
        %get3A_744 = arith.constant 32 : index
        %get3A_745 = tpu.vector_load %arg11[%get3A_743, %get3A_744] {strides = array<i32>} : memref<128x128xf32, #tpu.memory_space<vmem>>, vector<1x16xf32>,
        %get3A_746 = vector.shape_cast %get3A_745 : vector<1x16xf32> to vector<16xf32>
        %mul3A_747 = arith.mulf %get3A_746, %gather3A_722 : vector<16xf32>
        %swap3A_748 = arith.index_cast %add3A_710 : i32 to index
        %swap3A_749 = arith.constant 32 : index
        %swap3A_750 = tpu.vector_load %arg11[%swap3A_748, %swap3A_749] {strides = array<i32>} : memref<128x128xf32, #tpu.memory_space<vmem>>, vector<1x16xf32>,
        %swap3A_751 = vector.shape_cast %swap3A_750 : vector<1x16xf32> to vector<16xf32>
        %swap3A_752 = vector.shape_cast %mul3A_747 : vector<16xf32> to vector<1x16xf32>
        tpu.vector_store %arg11[%swap3A_748, %swap3A_749], %swap3A_752 {strides = array<i32>} : memref<128x128xf32, #tpu.memory_space<vmem>>, vector<1x16xf32>,
        %get3A_753 = arith.index_cast %add3A_710 : i32 to index
        %get3A_754 = arith.constant 48 : index
        %get3A_755 = tpu.vector_load %arg11[%get3A_753, %get3A_754] {strides = array<i32>} : memref<128x128xf32, #tpu.memory_space<vmem>>, vector<1x16xf32>,
        %get3A_756 = vector.shape_cast %get3A_755 : vector<1x16xf32> to vector<16xf32>
        %mul3A_757 = arith.mulf %get3A_756, %gather3A_722 : vector<16xf32>
        %swap3A_758 = arith.index_cast %add3A_710 : i32 to index
        %swap3A_759 = arith.constant 48 : index
        %swap3A_760 = tpu.vector_load %arg11[%swap3A_758, %swap3A_759] {strides = array<i32>} : memref<128x128xf32, #tpu.memory_space<vmem>>, vector<1x16xf32>,
        %swap3A_761 = vector.shape_cast %swap3A_760 : vector<1x16xf32> to vector<16xf32>
        %swap3A_762 = vector.shape_cast %mul3A_757 : vector<16xf32> to vector<1x16xf32>
        tpu.vector_store %arg11[%swap3A_758, %swap3A_759], %swap3A_762 {strides = array<i32>} : memref<128x128xf32, #tpu.memory_space<vmem>>, vector<1x16xf32>,
        %get3A_763 = arith.index_cast %add3A_710 : i32 to index
        %get3A_764 = arith.constant 64 : index
        %get3A_765 = tpu.vector_load %arg11[%get3A_763, %get3A_764] {strides = array<i32>} : memref<128x128xf32, #tpu.memory_space<vmem>>, vector<1x16xf32>,
        %get3A_766 = vector.shape_cast %get3A_765 : vector<1x16xf32> to vector<16xf32>
        %mul3A_767 = arith.mulf %get3A_766, %gather3A_722 : vector<16xf32>
        %swap3A_768 = arith.index_cast %add3A_710 : i32 to index
        %swap3A_769 = arith.constant 64 : index
        %swap3A_770 = tpu.vector_load %arg11[%swap3A_768, %swap3A_769] {strides = array<i32>} : memref<128x128xf32, #tpu.memory_space<vmem>>, vector<1x16xf32>,
        %swap3A_771 = vector.shape_cast %swap3A_770 : vector<1x16xf32> to vector<16xf32>
        %swap3A_772 = vector.shape_cast %mul3A_767 : vector<16xf32> to vector<1x16xf32>
        tpu.vector_store %arg11[%swap3A_768, %swap3A_769], %swap3A_772 {strides = array<i32>} : memref<128x128xf32, #tpu.memory_space<vmem>>, vector<1x16xf32>,
        %get3A_773 = arith.index_cast %add3A_710 : i32 to index
        %get3A_774 = arith.constant 80 : index
        %get3A_775 = tpu.vector_load %arg11[%get3A_773, %get3A_774] {strides = array<i32>} : memref<128x128xf32, #tpu.memory_space<vmem>>, vector<1x16xf32>,
        %get3A_776 = vector.shape_cast %get3A_775 : vector<1x16xf32> to vector<16xf32>
        %mul3A_777 = arith.mulf %get3A_776, %gather3A_722 : vector<16xf32>
        %swap3A_778 = arith.index_cast %add3A_710 : i32 to index
        %swap3A_779 = arith.constant 80 : index
        %swap3A_780 = tpu.vector_load %arg11[%swap3A_778, %swap3A_779] {strides = array<i32>} : memref<128x128xf32, #tpu.memory_space<vmem>>, vector<1x16xf32>,
        %swap3A_781 = vector.shape_cast %swap3A_780 : vector<1x16xf32> to vector<16xf32>
        %swap3A_782 = vector.shape_cast %mul3A_777 : vector<16xf32> to vector<1x16xf32>
        tpu.vector_store %arg11[%swap3A_778, %swap3A_779], %swap3A_782 {strides = array<i32>} : memref<128x128xf32, #tpu.memory_space<vmem>>, vector<1x16xf32>,
        %get3A_783 = arith.index_cast %add3A_710 : i32 to index
        %get3A_784 = arith.constant 96 : index
        %get3A_785 = tpu.vector_load %arg11[%get3A_783, %get3A_784] {strides = array<i32>} : memref<128x128xf32, #tpu.memory_space<vmem>>, vector<1x16xf32>,
        %get3A_786 = vector.shape_cast %get3A_785 : vector<1x16xf32> to vector<16xf32>
        %mul3A_787 = arith.mulf %get3A_786, %gather3A_722 : vector<16xf32>
        %swap3A_788 = arith.index_cast %add3A_710 : i32 to index
        %swap3A_789 = arith.constant 96 : index
        %swap3A_790 = tpu.vector_load %arg11[%swap3A_788, %swap3A_789] {strides = array<i32>} : memref<128x128xf32, #tpu.memory_space<vmem>>, vector<1x16xf32>,
        %swap3A_791 = vector.shape_cast %swap3A_790 : vector<1x16xf32> to vector<16xf32>
        %swap3A_792 = vector.shape_cast %mul3A_787 : vector<16xf32> to vector<1x16xf32>
        tpu.vector_store %arg11[%swap3A_788, %swap3A_789], %swap3A_792 {strides = array<i32>} : memref<128x128xf32, #tpu.memory_space<vmem>>, vector<1x16xf32>,
        %get3A_793 = arith.index_cast %add3A_710 : i32 to index
        %get3A_794 = arith.constant 112 : index
        %get3A_795 = tpu.vector_load %arg11[%get3A_793, %get3A_794] {strides = array<i32>} : memref<128x128xf32, #tpu.memory_space<vmem>>, vector<1x16xf32>,
        %get3A_796 = vector.shape_cast %get3A_795 : vector<1x16xf32> to vector<16xf32>
        %mul3A_797 = arith.mulf %get3A_796, %gather3A_722 : vector<16xf32>
        %swap3A_798 = arith.index_cast %add3A_710 : i32 to index
        %swap3A_799 = arith.constant 112 : index
        %swap3A_800 = tpu.vector_load %arg11[%swap3A_798, %swap3A_799] {strides = array<i32>} : memref<128x128xf32, #tpu.memory_space<vmem>>, vector<1x16xf32>,
        %swap3A_801 = vector.shape_cast %swap3A_800 : vector<1x16xf32> to vector<16xf32>
        %swap3A_802 = vector.shape_cast %mul3A_797 : vector<16xf32> to vector<1x16xf32>
        tpu.vector_store %arg11[%swap3A_798, %swap3A_799], %swap3A_802 {strides = array<i32>} : memref<128x128xf32, #tpu.memory_space<vmem>>, vector<1x16xf32>,
        %mul3A_803 = arith.constant 16 : i32
        %mul3A_804 = arith.muli %scan3A_34, %mul3A_803 : i32
        %add3A_805 = arith.constant 8 : i32
        %add3A_806 = arith.addi %mul3A_804, %add3A_805 : i32
        %broadcast_in_dim3A_807 = arith.constant 8 : i32
        %broadcast_in_dim3A_808 = vector.broadcast %broadcast_in_dim3A_807 : i32 to vector<16xi32>
        %lt3A_809 = arith.constant 0 : i32
        %lt3A_810 = vector.broadcast %lt3A_809 : i32 to vector<16xi32>
        %lt3A_811 = arith.cmpi slt, %broadcast_in_dim3A_808, %lt3A_810 : vector<16xi32>
        %add3A_812 = arith.constant 16 : i32
        %add3A_813 = vector.broadcast %add3A_812 : i32 to vector<16xi32>
        %add3A_814 = arith.addi %broadcast_in_dim3A_808, %add3A_813 : vector<16xi32>
        %select_n3A_815 = arith.select %lt3A_811, %add3A_814, %broadcast_in_dim3A_808 : vector<16xi1>, vector<16xi32>
        %broadcast_in_dim3A_816 = vector.shape_cast %select_n3A_815 : vector<16xi32> to vector<16x1xi32>
        %gather3A_817 = vector.shape_cast %broadcast_in_dim3A_816 : vector<16x1xi32> to vector<16xi32>
        %gather3A_818 = tpu.dynamic_gather %get3A_39[%gather3A_817] in [0] : vector<16xf32>, vector<16xi32> -> vector<16xf32>
        %get3A_819 = arith.index_cast %add3A_806 : i32 to index
        %get3A_820 = arith.constant 0 : index
        %get3A_821 = tpu.vector_load %arg11[%get3A_819, %get3A_820] {strides = array<i32>} : memref<128x128xf32, #tpu.memory_space<vmem>>, vector<1x16xf32>,
        %get3A_822 = vector.shape_cast %get3A_821 : vector<1x16xf32> to vector<16xf32>
        %mul3A_823 = arith.mulf %get3A_822, %gather3A_818 : vector<16xf32>
        %swap3A_824 = arith.index_cast %add3A_806 : i32 to index
        %swap3A_825 = arith.constant 0 : index
        %swap3A_826 = tpu.vector_load %arg11[%swap3A_824, %swap3A_825] {strides = array<i32>} : memref<128x128xf32, #tpu.memory_space<vmem>>, vector<1x16xf32>,
        %swap3A_827 = vector.shape_cast %swap3A_826 : vector<1x16xf32> to vector<16xf32>
        %swap3A_828 = vector.shape_cast %mul3A_823 : vector<16xf32> to vector<1x16xf32>
        tpu.vector_store %arg11[%swap3A_824, %swap3A_825], %swap3A_828 {strides = array<i32>} : memref<128x128xf32, #tpu.memory_space<vmem>>, vector<1x16xf32>,
        %get3A_829 = arith.index_cast %add3A_806 : i32 to index
        %get3A_830 = arith.constant 16 : index
        %get3A_831 = tpu.vector_load %arg11[%get3A_829, %get3A_830] {strides = array<i32>} : memref<128x128xf32, #tpu.memory_space<vmem>>, vector<1x16xf32>,
        %get3A_832 = vector.shape_cast %get3A_831 : vector<1x16xf32> to vector<16xf32>
        %mul3A_833 = arith.mulf %get3A_832, %gather3A_818 : vector<16xf32>
        %swap3A_834 = arith.index_cast %add3A_806 : i32 to index
        %swap3A_835 = arith.constant 16 : index
        %swap3A_836 = tpu.vector_load %arg11[%swap3A_834, %swap3A_835] {strides = array<i32>} : memref<128x128xf32, #tpu.memory_space<vmem>>, vector<1x16xf32>,
        %swap3A_837 = vector.shape_cast %swap3A_836 : vector<1x16xf32> to vector<16xf32>
        %swap3A_838 = vector.shape_cast %mul3A_833 : vector<16xf32> to vector<1x16xf32>
        tpu.vector_store %arg11[%swap3A_834, %swap3A_835], %swap3A_838 {strides = array<i32>} : memref<128x128xf32, #tpu.memory_space<vmem>>, vector<1x16xf32>,
        %get3A_839 = arith.index_cast %add3A_806 : i32 to index
        %get3A_840 = arith.constant 32 : index
        %get3A_841 = tpu.vector_load %arg11[%get3A_839, %get3A_840] {strides = array<i32>} : memref<128x128xf32, #tpu.memory_space<vmem>>, vector<1x16xf32>,
        %get3A_842 = vector.shape_cast %get3A_841 : vector<1x16xf32> to vector<16xf32>
        %mul3A_843 = arith.mulf %get3A_842, %gather3A_818 : vector<16xf32>
        %swap3A_844 = arith.index_cast %add3A_806 : i32 to index
        %swap3A_845 = arith.constant 32 : index
        %swap3A_846 = tpu.vector_load %arg11[%swap3A_844, %swap3A_845] {strides = array<i32>} : memref<128x128xf32, #tpu.memory_space<vmem>>, vector<1x16xf32>,
        %swap3A_847 = vector.shape_cast %swap3A_846 : vector<1x16xf32> to vector<16xf32>
        %swap3A_848 = vector.shape_cast %mul3A_843 : vector<16xf32> to vector<1x16xf32>
        tpu.vector_store %arg11[%swap3A_844, %swap3A_845], %swap3A_848 {strides = array<i32>} : memref<128x128xf32, #tpu.memory_space<vmem>>, vector<1x16xf32>,
        %get3A_849 = arith.index_cast %add3A_806 : i32 to index
        %get3A_850 = arith.constant 48 : index
        %get3A_851 = tpu.vector_load %arg11[%get3A_849, %get3A_850] {strides = array<i32>} : memref<128x128xf32, #tpu.memory_space<vmem>>, vector<1x16xf32>,
        %get3A_852 = vector.shape_cast %get3A_851 : vector<1x16xf32> to vector<16xf32>
        %mul3A_853 = arith.mulf %get3A_852, %gather3A_818 : vector<16xf32>
        %swap3A_854 = arith.index_cast %add3A_806 : i32 to index
        %swap3A_855 = arith.constant 48 : index
        %swap3A_856 = tpu.vector_load %arg11[%swap3A_854, %swap3A_855] {strides = array<i32>} : memref<128x128xf32, #tpu.memory_space<vmem>>, vector<1x16xf32>,
        %swap3A_857 = vector.shape_cast %swap3A_856 : vector<1x16xf32> to vector<16xf32>
        %swap3A_858 = vector.shape_cast %mul3A_853 : vector<16xf32> to vector<1x16xf32>
        tpu.vector_store %arg11[%swap3A_854, %swap3A_855], %swap3A_858 {strides = array<i32>} : memref<128x128xf32, #tpu.memory_space<vmem>>, vector<1x16xf32>,
        %get3A_859 = arith.index_cast %add3A_806 : i32 to index
        %get3A_860 = arith.constant 64 : index
        %get3A_861 = tpu.vector_load %arg11[%get3A_859, %get3A_860] {strides = array<i32>} : memref<128x128xf32, #tpu.memory_space<vmem>>, vector<1x16xf32>,
        %get3A_862 = vector.shape_cast %get3A_861 : vector<1x16xf32> to vector<16xf32>
        %mul3A_863 = arith.mulf %get3A_862, %gather3A_818 : vector<16xf32>
        %swap3A_864 = arith.index_cast %add3A_806 : i32 to index
        %swap3A_865 = arith.constant 64 : index
        %swap3A_866 = tpu.vector_load %arg11[%swap3A_864, %swap3A_865] {strides = array<i32>} : memref<128x128xf32, #tpu.memory_space<vmem>>, vector<1x16xf32>,
        %swap3A_867 = vector.shape_cast %swap3A_866 : vector<1x16xf32> to vector<16xf32>
        %swap3A_868 = vector.shape_cast %mul3A_863 : vector<16xf32> to vector<1x16xf32>
        tpu.vector_store %arg11[%swap3A_864, %swap3A_865], %swap3A_868 {strides = array<i32>} : memref<128x128xf32, #tpu.memory_space<vmem>>, vector<1x16xf32>,
        %get3A_869 = arith.index_cast %add3A_806 : i32 to index
        %get3A_870 = arith.constant 80 : index
        %get3A_871 = tpu.vector_load %arg11[%get3A_869, %get3A_870] {strides = array<i32>} : memref<128x128xf32, #tpu.memory_space<vmem>>, vector<1x16xf32>,
        %get3A_872 = vector.shape_cast %get3A_871 : vector<1x16xf32> to vector<16xf32>
        %mul3A_873 = arith.mulf %get3A_872, %gather3A_818 : vector<16xf32>
        %swap3A_874 = arith.index_cast %add3A_806 : i32 to index
        %swap3A_875 = arith.constant 80 : index
        %swap3A_876 = tpu.vector_load %arg11[%swap3A_874, %swap3A_875] {strides = array<i32>} : memref<128x128xf32, #tpu.memory_space<vmem>>, vector<1x16xf32>,
        %swap3A_877 = vector.shape_cast %swap3A_876 : vector<1x16xf32> to vector<16xf32>
        %swap3A_878 = vector.shape_cast %mul3A_873 : vector<16xf32> to vector<1x16xf32>
        tpu.vector_store %arg11[%swap3A_874, %swap3A_875], %swap3A_878 {strides = array<i32>} : memref<128x128xf32, #tpu.memory_space<vmem>>, vector<1x16xf32>,
        %get3A_879 = arith.index_cast %add3A_806 : i32 to index
        %get3A_880 = arith.constant 96 : index
        %get3A_881 = tpu.vector_load %arg11[%get3A_879, %get3A_880] {strides = array<i32>} : memref<128x128xf32, #tpu.memory_space<vmem>>, vector<1x16xf32>,
        %get3A_882 = vector.shape_cast %get3A_881 : vector<1x16xf32> to vector<16xf32>
        %mul3A_883 = arith.mulf %get3A_882, %gather3A_818 : vector<16xf32>
        %swap3A_884 = arith.index_cast %add3A_806 : i32 to index
        %swap3A_885 = arith.constant 96 : index
        %swap3A_886 = tpu.vector_load %arg11[%swap3A_884, %swap3A_885] {strides = array<i32>} : memref<128x128xf32, #tpu.memory_space<vmem>>, vector<1x16xf32>,
        %swap3A_887 = vector.shape_cast %swap3A_886 : vector<1x16xf32> to vector<16xf32>
        %swap3A_888 = vector.shape_cast %mul3A_883 : vector<16xf32> to vector<1x16xf32>
        tpu.vector_store %arg11[%swap3A_884, %swap3A_885], %swap3A_888 {strides = array<i32>} : memref<128x128xf32, #tpu.memory_space<vmem>>, vector<1x16xf32>,
        %get3A_889 = arith.index_cast %add3A_806 : i32 to index
        %get3A_890 = arith.constant 112 : index
        %get3A_891 = tpu.vector_load %arg11[%get3A_889, %get3A_890] {strides = array<i32>} : memref<128x128xf32, #tpu.memory_space<vmem>>, vector<1x16xf32>,
        %get3A_892 = vector.shape_cast %get3A_891 : vector<1x16xf32> to vector<16xf32>
        %mul3A_893 = arith.mulf %get3A_892, %gather3A_818 : vector<16xf32>
        %swap3A_894 = arith.index_cast %add3A_806 : i32 to index
        %swap3A_895 = arith.constant 112 : index
        %swap3A_896 = tpu.vector_load %arg11[%swap3A_894, %swap3A_895] {strides = array<i32>} : memref<128x128xf32, #tpu.memory_space<vmem>>, vector<1x16xf32>,
        %swap3A_897 = vector.shape_cast %swap3A_896 : vector<1x16xf32> to vector<16xf32>
        %swap3A_898 = vector.shape_cast %mul3A_893 : vector<16xf32> to vector<1x16xf32>
        tpu.vector_store %arg11[%swap3A_894, %swap3A_895], %swap3A_898 {strides = array<i32>} : memref<128x128xf32, #tpu.memory_space<vmem>>, vector<1x16xf32>,
        %mul3A_899 = arith.constant 16 : i32
        %mul3A_900 = arith.muli %scan3A_34, %mul3A_899 : i32
        %add3A_901 = arith.constant 9 : i32
        %add3A_902 = arith.addi %mul3A_900, %add3A_901 : i32
        %broadcast_in_dim3A_903 = arith.constant 9 : i32
        %broadcast_in_dim3A_904 = vector.broadcast %broadcast_in_dim3A_903 : i32 to vector<16xi32>
        %lt3A_905 = arith.constant 0 : i32
        %lt3A_906 = vector.broadcast %lt3A_905 : i32 to vector<16xi32>
        %lt3A_907 = arith.cmpi slt, %broadcast_in_dim3A_904, %lt3A_906 : vector<16xi32>
        %add3A_908 = arith.constant 16 : i32
        %add3A_909 = vector.broadcast %add3A_908 : i32 to vector<16xi32>
        %add3A_910 = arith.addi %broadcast_in_dim3A_904, %add3A_909 : vector<16xi32>
        %select_n3A_911 = arith.select %lt3A_907, %add3A_910, %broadcast_in_dim3A_904 : vector<16xi1>, vector<16xi32>
        %broadcast_in_dim3A_912 = vector.shape_cast %select_n3A_911 : vector<16xi32> to vector<16x1xi32>
        %gather3A_913 = vector.shape_cast %broadcast_in_dim3A_912 : vector<16x1xi32> to vector<16xi32>
        %gather3A_914 = tpu.dynamic_gather %get3A_39[%gather3A_913] in [0] : vector<16xf32>, vector<16xi32> -> vector<16xf32>
        %get3A_915 = arith.index_cast %add3A_902 : i32 to index
        %get3A_916 = arith.constant 0 : index
        %get3A_917 = tpu.vector_load %arg11[%get3A_915, %get3A_916] {strides = array<i32>} : memref<128x128xf32, #tpu.memory_space<vmem>>, vector<1x16xf32>,
        %get3A_918 = vector.shape_cast %get3A_917 : vector<1x16xf32> to vector<16xf32>
        %mul3A_919 = arith.mulf %get3A_918, %gather3A_914 : vector<16xf32>
        %swap3A_920 = arith.index_cast %add3A_902 : i32 to index
        %swap3A_921 = arith.constant 0 : index
        %swap3A_922 = tpu.vector_load %arg11[%swap3A_920, %swap3A_921] {strides = array<i32>} : memref<128x128xf32, #tpu.memory_space<vmem>>, vector<1x16xf32>,
        %swap3A_923 = vector.shape_cast %swap3A_922 : vector<1x16xf32> to vector<16xf32>
        %swap3A_924 = vector.shape_cast %mul3A_919 : vector<16xf32> to vector<1x16xf32>
        tpu.vector_store %arg11[%swap3A_920, %swap3A_921], %swap3A_924 {strides = array<i32>} : memref<128x128xf32, #tpu.memory_space<vmem>>, vector<1x16xf32>,
        %get3A_925 = arith.index_cast %add3A_902 : i32 to index
        %get3A_926 = arith.constant 16 : index
        %get3A_927 = tpu.vector_load %arg11[%get3A_925, %get3A_926] {strides = array<i32>} : memref<128x128xf32, #tpu.memory_space<vmem>>, vector<1x16xf32>,
        %get3A_928 = vector.shape_cast %get3A_927 : vector<1x16xf32> to vector<16xf32>
        %mul3A_929 = arith.mulf %get3A_928, %gather3A_914 : vector<16xf32>
        %swap3A_930 = arith.index_cast %add3A_902 : i32 to index
        %swap3A_931 = arith.constant 16 : index
        %swap3A_932 = tpu.vector_load %arg11[%swap3A_930, %swap3A_931] {strides = array<i32>} : memref<128x128xf32, #tpu.memory_space<vmem>>, vector<1x16xf32>,
        %swap3A_933 = vector.shape_cast %swap3A_932 : vector<1x16xf32> to vector<16xf32>
        %swap3A_934 = vector.shape_cast %mul3A_929 : vector<16xf32> to vector<1x16xf32>
        tpu.vector_store %arg11[%swap3A_930, %swap3A_931], %swap3A_934 {strides = array<i32>} : memref<128x128xf32, #tpu.memory_space<vmem>>, vector<1x16xf32>,
        %get3A_935 = arith.index_cast %add3A_902 : i32 to index
        %get3A_936 = arith.constant 32 : index
        %get3A_937 = tpu.vector_load %arg11[%get3A_935, %get3A_936] {strides = array<i32>} : memref<128x128xf32, #tpu.memory_space<vmem>>, vector<1x16xf32>,
        %get3A_938 = vector.shape_cast %get3A_937 : vector<1x16xf32> to vector<16xf32>
        %mul3A_939 = arith.mulf %get3A_938, %gather3A_914 : vector<16xf32>
        %swap3A_940 = arith.index_cast %add3A_902 : i32 to index
        %swap3A_941 = arith.constant 32 : index
        %swap3A_942 = tpu.vector_load %arg11[%swap3A_940, %swap3A_941] {strides = array<i32>} : memref<128x128xf32, #tpu.memory_space<vmem>>, vector<1x16xf32>,
        %swap3A_943 = vector.shape_cast %swap3A_942 : vector<1x16xf32> to vector<16xf32>
        %swap3A_944 = vector.shape_cast %mul3A_939 : vector<16xf32> to vector<1x16xf32>
        tpu.vector_store %arg11[%swap3A_940, %swap3A_941], %swap3A_944 {strides = array<i32>} : memref<128x128xf32, #tpu.memory_space<vmem>>, vector<1x16xf32>,
        %get3A_945 = arith.index_cast %add3A_902 : i32 to index
        %get3A_946 = arith.constant 48 : index
        %get3A_947 = tpu.vector_load %arg11[%get3A_945, %get3A_946] {strides = array<i32>} : memref<128x128xf32, #tpu.memory_space<vmem>>, vector<1x16xf32>,
        %get3A_948 = vector.shape_cast %get3A_947 : vector<1x16xf32> to vector<16xf32>
        %mul3A_949 = arith.mulf %get3A_948, %gather3A_914 : vector<16xf32>
        %swap3A_950 = arith.index_cast %add3A_902 : i32 to index
        %swap3A_951 = arith.constant 48 : index
        %swap3A_952 = tpu.vector_load %arg11[%swap3A_950, %swap3A_951] {strides = array<i32>} : memref<128x128xf32, #tpu.memory_space<vmem>>, vector<1x16xf32>,
        %swap3A_953 = vector.shape_cast %swap3A_952 : vector<1x16xf32> to vector<16xf32>
        %swap3A_954 = vector.shape_cast %mul3A_949 : vector<16xf32> to vector<1x16xf32>
        tpu.vector_store %arg11[%swap3A_950, %swap3A_951], %swap3A_954 {strides = array<i32>} : memref<128x128xf32, #tpu.memory_space<vmem>>, vector<1x16xf32>,
        %get3A_955 = arith.index_cast %add3A_902 : i32 to index
        %get3A_956 = arith.constant 64 : index
        %get3A_957 = tpu.vector_load %arg11[%get3A_955, %get3A_956] {strides = array<i32>} : memref<128x128xf32, #tpu.memory_space<vmem>>, vector<1x16xf32>,
        %get3A_958 = vector.shape_cast %get3A_957 : vector<1x16xf32> to vector<16xf32>
        %mul3A_959 = arith.mulf %get3A_958, %gather3A_914 : vector<16xf32>
        %swap3A_960 = arith.index_cast %add3A_902 : i32 to index
        %swap3A_961 = arith.constant 64 : index
        %swap3A_962 = tpu.vector_load %arg11[%swap3A_960, %swap3A_961] {strides = array<i32>} : memref<128x128xf32, #tpu.memory_space<vmem>>, vector<1x16xf32>,
        %swap3A_963 = vector.shape_cast %swap3A_962 : vector<1x16xf32> to vector<16xf32>
        %swap3A_964 = vector.shape_cast %mul3A_959 : vector<16xf32> to vector<1x16xf32>
        tpu.vector_store %arg11[%swap3A_960, %swap3A_961], %swap3A_964 {strides = array<i32>} : memref<128x128xf32, #tpu.memory_space<vmem>>, vector<1x16xf32>,
        %get3A_965 = arith.index_cast %add3A_902 : i32 to index
        %get3A_966 = arith.constant 80 : index
        %get3A_967 = tpu.vector_load %arg11[%get3A_965, %get3A_966] {strides = array<i32>} : memref<128x128xf32, #tpu.memory_space<vmem>>, vector<1x16xf32>,
        %get3A_968 = vector.shape_cast %get3A_967 : vector<1x16xf32> to vector<16xf32>
        %mul3A_969 = arith.mulf %get3A_968, %gather3A_914 : vector<16xf32>
        %swap3A_970 = arith.index_cast %add3A_902 : i32 to index
        %swap3A_971 = arith.constant 80 : index
        %swap3A_972 = tpu.vector_load %arg11[%swap3A_970, %swap3A_971] {strides = array<i32>} : memref<128x128xf32, #tpu.memory_space<vmem>>, vector<1x16xf32>,
        %swap3A_973 = vector.shape_cast %swap3A_972 : vector<1x16xf32> to vector<16xf32>
        %swap3A_974 = vector.shape_cast %mul3A_969 : vector<16xf32> to vector<1x16xf32>
        tpu.vector_store %arg11[%swap3A_970, %swap3A_971], %swap3A_974 {strides = array<i32>} : memref<128x128xf32, #tpu.memory_space<vmem>>, vector<1x16xf32>,
        %get3A_975 = arith.index_cast %add3A_902 : i32 to index
        %get3A_976 = arith.constant 96 : index
        %get3A_977 = tpu.vector_load %arg11[%get3A_975, %get3A_976] {strides = array<i32>} : memref<128x128xf32, #tpu.memory_space<vmem>>, vector<1x16xf32>,
        %get3A_978 = vector.shape_cast %get3A_977 : vector<1x16xf32> to vector<16xf32>
        %mul3A_979 = arith.mulf %get3A_978, %gather3A_914 : vector<16xf32>
        %swap3A_980 = arith.index_cast %add3A_902 : i32 to index
        %swap3A_981 = arith.constant 96 : index
        %swap3A_982 = tpu.vector_load %arg11[%swap3A_980, %swap3A_981] {strides = array<i32>} : memref<128x128xf32, #tpu.memory_space<vmem>>, vector<1x16xf32>,
        %swap3A_983 = vector.shape_cast %swap3A_982 : vector<1x16xf32> to vector<16xf32>
        %swap3A_984 = vector.shape_cast %mul3A_979 : vector<16xf32> to vector<1x16xf32>
        tpu.vector_store %arg11[%swap3A_980, %swap3A_981], %swap3A_984 {strides = array<i32>} : memref<128x128xf32, #tpu.memory_space<vmem>>, vector<1x16xf32>,
        %get3A_985 = arith.index_cast %add3A_902 : i32 to index
        %get3A_986 = arith.constant 112 : index
        %get3A_987 = tpu.vector_load %arg11[%get3A_985, %get3A_986] {strides = array<i32>} : memref<128x128xf32, #tpu.memory_space<vmem>>, vector<1x16xf32>,
        %get3A_988 = vector.shape_cast %get3A_987 : vector<1x16xf32> to vector<16xf32>
        %mul3A_989 = arith.mulf %get3A_988, %gather3A_914 : vector<16xf32>
        %swap3A_990 = arith.index_cast %add3A_902 : i32 to index
        %swap3A_991 = arith.constant 112 : index
        %swap3A_992 = tpu.vector_load %arg11[%swap3A_990, %swap3A_991] {strides = array<i32>} : memref<128x128xf32, #tpu.memory_space<vmem>>, vector<1x16xf32>,
        %swap3A_993 = vector.shape_cast %swap3A_992 : vector<1x16xf32> to vector<16xf32>
        %swap3A_994 = vector.shape_cast %mul3A_989 : vector<16xf32> to vector<1x16xf32>
        tpu.vector_store %arg11[%swap3A_990, %swap3A_991], %swap3A_994 {strides = array<i32>} : memref<128x128xf32, #tpu.memory_space<vmem>>, vector<1x16xf32>,
        %mul3A_995 = arith.constant 16 : i32
        %mul3A_996 = arith.muli %scan3A_34, %mul3A_995 : i32
        %add3A_997 = arith.constant 10 : i32
        %add3A_998 = arith.addi %mul3A_996, %add3A_997 : i32
        %broadcast_in_dim3A_999 = arith.constant 10 : i32
        %broadcast_in_dim3A_1000 = vector.broadcast %broadcast_in_dim3A_999 : i32 to vector<16xi32>
        %lt3A_1001 = arith.constant 0 : i32
        %lt3A_1002 = vector.broadcast %lt3A_1001 : i32 to vector<16xi32>
        %lt3A_1003 = arith.cmpi slt, %broadcast_in_dim3A_1000, %lt3A_1002 : vector<16xi32>
        %add3A_1004 = arith.constant 16 : i32
        %add3A_1005 = vector.broadcast %add3A_1004 : i32 to vector<16xi32>
        %add3A_1006 = arith.addi %broadcast_in_dim3A_1000, %add3A_1005 : vector<16xi32>
        %select_n3A_1007 = arith.select %lt3A_1003, %add3A_1006, %broadcast_in_dim3A_1000 : vector<16xi1>, vector<16xi32>
        %broadcast_in_dim3A_1008 = vector.shape_cast %select_n3A_1007 : vector<16xi32> to vector<16x1xi32>
        %gather3A_1009 = vector.shape_cast %broadcast_in_dim3A_1008 : vector<16x1xi32> to vector<16xi32>
        %gather3A_1010 = tpu.dynamic_gather %get3A_39[%gather3A_1009] in [0] : vector<16xf32>, vector<16xi32> -> vector<16xf32>
        %get3A_1011 = arith.index_cast %add3A_998 : i32 to index
        %get3A_1012 = arith.constant 0 : index
        %get3A_1013 = tpu.vector_load %arg11[%get3A_1011, %get3A_1012] {strides = array<i32>} : memref<128x128xf32, #tpu.memory_space<vmem>>, vector<1x16xf32>,
        %get3A_1014 = vector.shape_cast %get3A_1013 : vector<1x16xf32> to vector<16xf32>
        %mul3A_1015 = arith.mulf %get3A_1014, %gather3A_1010 : vector<16xf32>
        %swap3A_1016 = arith.index_cast %add3A_998 : i32 to index
        %swap3A_1017 = arith.constant 0 : index
        %swap3A_1018 = tpu.vector_load %arg11[%swap3A_1016, %swap3A_1017] {strides = array<i32>} : memref<128x128xf32, #tpu.memory_space<vmem>>, vector<1x16xf32>,
        %swap3A_1019 = vector.shape_cast %swap3A_1018 : vector<1x16xf32> to vector<16xf32>
        %swap3A_1020 = vector.shape_cast %mul3A_1015 : vector<16xf32> to vector<1x16xf32>
        tpu.vector_store %arg11[%swap3A_1016, %swap3A_1017], %swap3A_1020 {strides = array<i32>} : memref<128x128xf32, #tpu.memory_space<vmem>>, vector<1x16xf32>,
        %get3A_1021 = arith.index_cast %add3A_998 : i32 to index
        %get3A_1022 = arith.constant 16 : index
        %get3A_1023 = tpu.vector_load %arg11[%get3A_1021, %get3A_1022] {strides = array<i32>} : memref<128x128xf32, #tpu.memory_space<vmem>>, vector<1x16xf32>,
        %get3A_1024 = vector.shape_cast %get3A_1023 : vector<1x16xf32> to vector<16xf32>
        %mul3A_1025 = arith.mulf %get3A_1024, %gather3A_1010 : vector<16xf32>
        %swap3A_1026 = arith.index_cast %add3A_998 : i32 to index
        %swap3A_1027 = arith.constant 16 : index
        %swap3A_1028 = tpu.vector_load %arg11[%swap3A_1026, %swap3A_1027] {strides = array<i32>} : memref<128x128xf32, #tpu.memory_space<vmem>>, vector<1x16xf32>,
        %swap3A_1029 = vector.shape_cast %swap3A_1028 : vector<1x16xf32> to vector<16xf32>
        %swap3A_1030 = vector.shape_cast %mul3A_1025 : vector<16xf32> to vector<1x16xf32>
        tpu.vector_store %arg11[%swap3A_1026, %swap3A_1027], %swap3A_1030 {strides = array<i32>} : memref<128x128xf32, #tpu.memory_space<vmem>>, vector<1x16xf32>,
        %get3A_1031 = arith.index_cast %add3A_998 : i32 to index
        %get3A_1032 = arith.constant 32 : index
        %get3A_1033 = tpu.vector_load %arg11[%get3A_1031, %get3A_1032] {strides = array<i32>} : memref<128x128xf32, #tpu.memory_space<vmem>>, vector<1x16xf32>,
        %get3A_1034 = vector.shape_cast %get3A_1033 : vector<1x16xf32> to vector<16xf32>
        %mul3A_1035 = arith.mulf %get3A_1034, %gather3A_1010 : vector<16xf32>
        %swap3A_1036 = arith.index_cast %add3A_998 : i32 to index
        %swap3A_1037 = arith.constant 32 : index
        %swap3A_1038 = tpu.vector_load %arg11[%swap3A_1036, %swap3A_1037] {strides = array<i32>} : memref<128x128xf32, #tpu.memory_space<vmem>>, vector<1x16xf32>,
        %swap3A_1039 = vector.shape_cast %swap3A_1038 : vector<1x16xf32> to vector<16xf32>
        %swap3A_1040 = vector.shape_cast %mul3A_1035 : vector<16xf32> to vector<1x16xf32>
        tpu.vector_store %arg11[%swap3A_1036, %swap3A_1037], %swap3A_1040 {strides = array<i32>} : memref<128x128xf32, #tpu.memory_space<vmem>>, vector<1x16xf32>,
        %get3A_1041 = arith.index_cast %add3A_998 : i32 to index
        %get3A_1042 = arith.constant 48 : index
        %get3A_1043 = tpu.vector_load %arg11[%get3A_1041, %get3A_1042] {strides = array<i32>} : memref<128x128xf32, #tpu.memory_space<vmem>>, vector<1x16xf32>,
        %get3A_1044 = vector.shape_cast %get3A_1043 : vector<1x16xf32> to vector<16xf32>
        %mul3A_1045 = arith.mulf %get3A_1044, %gather3A_1010 : vector<16xf32>
        %swap3A_1046 = arith.index_cast %add3A_998 : i32 to index
        %swap3A_1047 = arith.constant 48 : index
        %swap3A_1048 = tpu.vector_load %arg11[%swap3A_1046, %swap3A_1047] {strides = array<i32>} : memref<128x128xf32, #tpu.memory_space<vmem>>, vector<1x16xf32>,
        %swap3A_1049 = vector.shape_cast %swap3A_1048 : vector<1x16xf32> to vector<16xf32>
        %swap3A_1050 = vector.shape_cast %mul3A_1045 : vector<16xf32> to vector<1x16xf32>
        tpu.vector_store %arg11[%swap3A_1046, %swap3A_1047], %swap3A_1050 {strides = array<i32>} : memref<128x128xf32, #tpu.memory_space<vmem>>, vector<1x16xf32>,
        %get3A_1051 = arith.index_cast %add3A_998 : i32 to index
        %get3A_1052 = arith.constant 64 : index
        %get3A_1053 = tpu.vector_load %arg11[%get3A_1051, %get3A_1052] {strides = array<i32>} : memref<128x128xf32, #tpu.memory_space<vmem>>, vector<1x16xf32>,
        %get3A_1054 = vector.shape_cast %get3A_1053 : vector<1x16xf32> to vector<16xf32>
        %mul3A_1055 = arith.mulf %get3A_1054, %gather3A_1010 : vector<16xf32>
        %swap3A_1056 = arith.index_cast %add3A_998 : i32 to index
        %swap3A_1057 = arith.constant 64 : index
        %swap3A_1058 = tpu.vector_load %arg11[%swap3A_1056, %swap3A_1057] {strides = array<i32>} : memref<128x128xf32, #tpu.memory_space<vmem>>, vector<1x16xf32>,
        %swap3A_1059 = vector.shape_cast %swap3A_1058 : vector<1x16xf32> to vector<16xf32>
        %swap3A_1060 = vector.shape_cast %mul3A_1055 : vector<16xf32> to vector<1x16xf32>
        tpu.vector_store %arg11[%swap3A_1056, %swap3A_1057], %swap3A_1060 {strides = array<i32>} : memref<128x128xf32, #tpu.memory_space<vmem>>, vector<1x16xf32>,
        %get3A_1061 = arith.index_cast %add3A_998 : i32 to index
        %get3A_1062 = arith.constant 80 : index
        %get3A_1063 = tpu.vector_load %arg11[%get3A_1061, %get3A_1062] {strides = array<i32>} : memref<128x128xf32, #tpu.memory_space<vmem>>, vector<1x16xf32>,
        %get3A_1064 = vector.shape_cast %get3A_1063 : vector<1x16xf32> to vector<16xf32>
        %mul3A_1065 = arith.mulf %get3A_1064, %gather3A_1010 : vector<16xf32>
        %swap3A_1066 = arith.index_cast %add3A_998 : i32 to index
        %swap3A_1067 = arith.constant 80 : index
        %swap3A_1068 = tpu.vector_load %arg11[%swap3A_1066, %swap3A_1067] {strides = array<i32>} : memref<128x128xf32, #tpu.memory_space<vmem>>, vector<1x16xf32>,
        %swap3A_1069 = vector.shape_cast %swap3A_1068 : vector<1x16xf32> to vector<16xf32>
        %swap3A_1070 = vector.shape_cast %mul3A_1065 : vector<16xf32> to vector<1x16xf32>
        tpu.vector_store %arg11[%swap3A_1066, %swap3A_1067], %swap3A_1070 {strides = array<i32>} : memref<128x128xf32, #tpu.memory_space<vmem>>, vector<1x16xf32>,
        %get3A_1071 = arith.index_cast %add3A_998 : i32 to index
        %get3A_1072 = arith.constant 96 : index
        %get3A_1073 = tpu.vector_load %arg11[%get3A_1071, %get3A_1072] {strides = array<i32>} : memref<128x128xf32, #tpu.memory_space<vmem>>, vector<1x16xf32>,
        %get3A_1074 = vector.shape_cast %get3A_1073 : vector<1x16xf32> to vector<16xf32>
        %mul3A_1075 = arith.mulf %get3A_1074, %gather3A_1010 : vector<16xf32>
        %swap3A_1076 = arith.index_cast %add3A_998 : i32 to index
        %swap3A_1077 = arith.constant 96 : index
        %swap3A_1078 = tpu.vector_load %arg11[%swap3A_1076, %swap3A_1077] {strides = array<i32>} : memref<128x128xf32, #tpu.memory_space<vmem>>, vector<1x16xf32>,
        %swap3A_1079 = vector.shape_cast %swap3A_1078 : vector<1x16xf32> to vector<16xf32>
        %swap3A_1080 = vector.shape_cast %mul3A_1075 : vector<16xf32> to vector<1x16xf32>
        tpu.vector_store %arg11[%swap3A_1076, %swap3A_1077], %swap3A_1080 {strides = array<i32>} : memref<128x128xf32, #tpu.memory_space<vmem>>, vector<1x16xf32>,
        %get3A_1081 = arith.index_cast %add3A_998 : i32 to index
        %get3A_1082 = arith.constant 112 : index
        %get3A_1083 = tpu.vector_load %arg11[%get3A_1081, %get3A_1082] {strides = array<i32>} : memref<128x128xf32, #tpu.memory_space<vmem>>, vector<1x16xf32>,
        %get3A_1084 = vector.shape_cast %get3A_1083 : vector<1x16xf32> to vector<16xf32>
        %mul3A_1085 = arith.mulf %get3A_1084, %gather3A_1010 : vector<16xf32>
        %swap3A_1086 = arith.index_cast %add3A_998 : i32 to index
        %swap3A_1087 = arith.constant 112 : index
        %swap3A_1088 = tpu.vector_load %arg11[%swap3A_1086, %swap3A_1087] {strides = array<i32>} : memref<128x128xf32, #tpu.memory_space<vmem>>, vector<1x16xf32>,
        %swap3A_1089 = vector.shape_cast %swap3A_1088 : vector<1x16xf32> to vector<16xf32>
        %swap3A_1090 = vector.shape_cast %mul3A_1085 : vector<16xf32> to vector<1x16xf32>
        tpu.vector_store %arg11[%swap3A_1086, %swap3A_1087], %swap3A_1090 {strides = array<i32>} : memref<128x128xf32, #tpu.memory_space<vmem>>, vector<1x16xf32>,
        %mul3A_1091 = arith.constant 16 : i32
        %mul3A_1092 = arith.muli %scan3A_34, %mul3A_1091 : i32
        %add3A_1093 = arith.constant 11 : i32
        %add3A_1094 = arith.addi %mul3A_1092, %add3A_1093 : i32
        %broadcast_in_dim3A_1095 = arith.constant 11 : i32
        %broadcast_in_dim3A_1096 = vector.broadcast %broadcast_in_dim3A_1095 : i32 to vector<16xi32>
        %lt3A_1097 = arith.constant 0 : i32
        %lt3A_1098 = vector.broadcast %lt3A_1097 : i32 to vector<16xi32>
        %lt3A_1099 = arith.cmpi slt, %broadcast_in_dim3A_1096, %lt3A_1098 : vector<16xi32>
        %add3A_1100 = arith.constant 16 : i32
        %add3A_1101 = vector.broadcast %add3A_1100 : i32 to vector<16xi32>
        %add3A_1102 = arith.addi %broadcast_in_dim3A_1096, %add3A_1101 : vector<16xi32>
        %select_n3A_1103 = arith.select %lt3A_1099, %add3A_1102, %broadcast_in_dim3A_1096 : vector<16xi1>, vector<16xi32>
        %broadcast_in_dim3A_1104 = vector.shape_cast %select_n3A_1103 : vector<16xi32> to vector<16x1xi32>
        %gather3A_1105 = vector.shape_cast %broadcast_in_dim3A_1104 : vector<16x1xi32> to vector<16xi32>
        %gather3A_1106 = tpu.dynamic_gather %get3A_39[%gather3A_1105] in [0] : vector<16xf32>, vector<16xi32> -> vector<16xf32>
        %get3A_1107 = arith.index_cast %add3A_1094 : i32 to index
        %get3A_1108 = arith.constant 0 : index
        %get3A_1109 = tpu.vector_load %arg11[%get3A_1107, %get3A_1108] {strides = array<i32>} : memref<128x128xf32, #tpu.memory_space<vmem>>, vector<1x16xf32>,
        %get3A_1110 = vector.shape_cast %get3A_1109 : vector<1x16xf32> to vector<16xf32>
        %mul3A_1111 = arith.mulf %get3A_1110, %gather3A_1106 : vector<16xf32>
        %swap3A_1112 = arith.index_cast %add3A_1094 : i32 to index
        %swap3A_1113 = arith.constant 0 : index
        %swap3A_1114 = tpu.vector_load %arg11[%swap3A_1112, %swap3A_1113] {strides = array<i32>} : memref<128x128xf32, #tpu.memory_space<vmem>>, vector<1x16xf32>,
        %swap3A_1115 = vector.shape_cast %swap3A_1114 : vector<1x16xf32> to vector<16xf32>
        %swap3A_1116 = vector.shape_cast %mul3A_1111 : vector<16xf32> to vector<1x16xf32>
        tpu.vector_store %arg11[%swap3A_1112, %swap3A_1113], %swap3A_1116 {strides = array<i32>} : memref<128x128xf32, #tpu.memory_space<vmem>>, vector<1x16xf32>,
        %get3A_1117 = arith.index_cast %add3A_1094 : i32 to index
        %get3A_1118 = arith.constant 16 : index
        %get3A_1119 = tpu.vector_load %arg11[%get3A_1117, %get3A_1118] {strides = array<i32>} : memref<128x128xf32, #tpu.memory_space<vmem>>, vector<1x16xf32>,
        %get3A_1120 = vector.shape_cast %get3A_1119 : vector<1x16xf32> to vector<16xf32>
        %mul3A_1121 = arith.mulf %get3A_1120, %gather3A_1106 : vector<16xf32>
        %swap3A_1122 = arith.index_cast %add3A_1094 : i32 to index
        %swap3A_1123 = arith.constant 16 : index
        %swap3A_1124 = tpu.vector_load %arg11[%swap3A_1122, %swap3A_1123] {strides = array<i32>} : memref<128x128xf32, #tpu.memory_space<vmem>>, vector<1x16xf32>,
        %swap3A_1125 = vector.shape_cast %swap3A_1124 : vector<1x16xf32> to vector<16xf32>
        %swap3A_1126 = vector.shape_cast %mul3A_1121 : vector<16xf32> to vector<1x16xf32>
        tpu.vector_store %arg11[%swap3A_1122, %swap3A_1123], %swap3A_1126 {strides = array<i32>} : memref<128x128xf32, #tpu.memory_space<vmem>>, vector<1x16xf32>,
        %get3A_1127 = arith.index_cast %add3A_1094 : i32 to index
        %get3A_1128 = arith.constant 32 : index
        %get3A_1129 = tpu.vector_load %arg11[%get3A_1127, %get3A_1128] {strides = array<i32>} : memref<128x128xf32, #tpu.memory_space<vmem>>, vector<1x16xf32>,
        %get3A_1130 = vector.shape_cast %get3A_1129 : vector<1x16xf32> to vector<16xf32>
        %mul3A_1131 = arith.mulf %get3A_1130, %gather3A_1106 : vector<16xf32>
        %swap3A_1132 = arith.index_cast %add3A_1094 : i32 to index
        %swap3A_1133 = arith.constant 32 : index
        %swap3A_1134 = tpu.vector_load %arg11[%swap3A_1132, %swap3A_1133] {strides = array<i32>} : memref<128x128xf32, #tpu.memory_space<vmem>>, vector<1x16xf32>,
        %swap3A_1135 = vector.shape_cast %swap3A_1134 : vector<1x16xf32> to vector<16xf32>
        %swap3A_1136 = vector.shape_cast %mul3A_1131 : vector<16xf32> to vector<1x16xf32>
        tpu.vector_store %arg11[%swap3A_1132, %swap3A_1133], %swap3A_1136 {strides = array<i32>} : memref<128x128xf32, #tpu.memory_space<vmem>>, vector<1x16xf32>,
        %get3A_1137 = arith.index_cast %add3A_1094 : i32 to index
        %get3A_1138 = arith.constant 48 : index
        %get3A_1139 = tpu.vector_load %arg11[%get3A_1137, %get3A_1138] {strides = array<i32>} : memref<128x128xf32, #tpu.memory_space<vmem>>, vector<1x16xf32>,
        %get3A_1140 = vector.shape_cast %get3A_1139 : vector<1x16xf32> to vector<16xf32>
        %mul3A_1141 = arith.mulf %get3A_1140, %gather3A_1106 : vector<16xf32>
        %swap3A_1142 = arith.index_cast %add3A_1094 : i32 to index
        %swap3A_1143 = arith.constant 48 : index
        %swap3A_1144 = tpu.vector_load %arg11[%swap3A_1142, %swap3A_1143] {strides = array<i32>} : memref<128x128xf32, #tpu.memory_space<vmem>>, vector<1x16xf32>,
        %swap3A_1145 = vector.shape_cast %swap3A_1144 : vector<1x16xf32> to vector<16xf32>
        %swap3A_1146 = vector.shape_cast %mul3A_1141 : vector<16xf32> to vector<1x16xf32>
        tpu.vector_store %arg11[%swap3A_1142, %swap3A_1143], %swap3A_1146 {strides = array<i32>} : memref<128x128xf32, #tpu.memory_space<vmem>>, vector<1x16xf32>,
        %get3A_1147 = arith.index_cast %add3A_1094 : i32 to index
        %get3A_1148 = arith.constant 64 : index
        %get3A_1149 = tpu.vector_load %arg11[%get3A_1147, %get3A_1148] {strides = array<i32>} : memref<128x128xf32, #tpu.memory_space<vmem>>, vector<1x16xf32>,
        %get3A_1150 = vector.shape_cast %get3A_1149 : vector<1x16xf32> to vector<16xf32>
        %mul3A_1151 = arith.mulf %get3A_1150, %gather3A_1106 : vector<16xf32>
        %swap3A_1152 = arith.index_cast %add3A_1094 : i32 to index
        %swap3A_1153 = arith.constant 64 : index
        %swap3A_1154 = tpu.vector_load %arg11[%swap3A_1152, %swap3A_1153] {strides = array<i32>} : memref<128x128xf32, #tpu.memory_space<vmem>>, vector<1x16xf32>,
        %swap3A_1155 = vector.shape_cast %swap3A_1154 : vector<1x16xf32> to vector<16xf32>
        %swap3A_1156 = vector.shape_cast %mul3A_1151 : vector<16xf32> to vector<1x16xf32>
        tpu.vector_store %arg11[%swap3A_1152, %swap3A_1153], %swap3A_1156 {strides = array<i32>} : memref<128x128xf32, #tpu.memory_space<vmem>>, vector<1x16xf32>,
        %get3A_1157 = arith.index_cast %add3A_1094 : i32 to index
        %get3A_1158 = arith.constant 80 : index
        %get3A_1159 = tpu.vector_load %arg11[%get3A_1157, %get3A_1158] {strides = array<i32>} : memref<128x128xf32, #tpu.memory_space<vmem>>, vector<1x16xf32>,
        %get3A_1160 = vector.shape_cast %get3A_1159 : vector<1x16xf32> to vector<16xf32>
        %mul3A_1161 = arith.mulf %get3A_1160, %gather3A_1106 : vector<16xf32>
        %swap3A_1162 = arith.index_cast %add3A_1094 : i32 to index
        %swap3A_1163 = arith.constant 80 : index
        %swap3A_1164 = tpu.vector_load %arg11[%swap3A_1162, %swap3A_1163] {strides = array<i32>} : memref<128x128xf32, #tpu.memory_space<vmem>>, vector<1x16xf32>,
        %swap3A_1165 = vector.shape_cast %swap3A_1164 : vector<1x16xf32> to vector<16xf32>
        %swap3A_1166 = vector.shape_cast %mul3A_1161 : vector<16xf32> to vector<1x16xf32>
        tpu.vector_store %arg11[%swap3A_1162, %swap3A_1163], %swap3A_1166 {strides = array<i32>} : memref<128x128xf32, #tpu.memory_space<vmem>>, vector<1x16xf32>,
        %get3A_1167 = arith.index_cast %add3A_1094 : i32 to index
        %get3A_1168 = arith.constant 96 : index
        %get3A_1169 = tpu.vector_load %arg11[%get3A_1167, %get3A_1168] {strides = array<i32>} : memref<128x128xf32, #tpu.memory_space<vmem>>, vector<1x16xf32>,
        %get3A_1170 = vector.shape_cast %get3A_1169 : vector<1x16xf32> to vector<16xf32>
        %mul3A_1171 = arith.mulf %get3A_1170, %gather3A_1106 : vector<16xf32>
        %swap3A_1172 = arith.index_cast %add3A_1094 : i32 to index
        %swap3A_1173 = arith.constant 96 : index
        %swap3A_1174 = tpu.vector_load %arg11[%swap3A_1172, %swap3A_1173] {strides = array<i32>} : memref<128x128xf32, #tpu.memory_space<vmem>>, vector<1x16xf32>,
        %swap3A_1175 = vector.shape_cast %swap3A_1174 : vector<1x16xf32> to vector<16xf32>
        %swap3A_1176 = vector.shape_cast %mul3A_1171 : vector<16xf32> to vector<1x16xf32>
        tpu.vector_store %arg11[%swap3A_1172, %swap3A_1173], %swap3A_1176 {strides = array<i32>} : memref<128x128xf32, #tpu.memory_space<vmem>>, vector<1x16xf32>,
        %get3A_1177 = arith.index_cast %add3A_1094 : i32 to index
        %get3A_1178 = arith.constant 112 : index
        %get3A_1179 = tpu.vector_load %arg11[%get3A_1177, %get3A_1178] {strides = array<i32>} : memref<128x128xf32, #tpu.memory_space<vmem>>, vector<1x16xf32>,
        %get3A_1180 = vector.shape_cast %get3A_1179 : vector<1x16xf32> to vector<16xf32>
        %mul3A_1181 = arith.mulf %get3A_1180, %gather3A_1106 : vector<16xf32>
        %swap3A_1182 = arith.index_cast %add3A_1094 : i32 to index
        %swap3A_1183 = arith.constant 112 : index
        %swap3A_1184 = tpu.vector_load %arg11[%swap3A_1182, %swap3A_1183] {strides = array<i32>} : memref<128x128xf32, #tpu.memory_space<vmem>>, vector<1x16xf32>,
        %swap3A_1185 = vector.shape_cast %swap3A_1184 : vector<1x16xf32> to vector<16xf32>
        %swap3A_1186 = vector.shape_cast %mul3A_1181 : vector<16xf32> to vector<1x16xf32>
        tpu.vector_store %arg11[%swap3A_1182, %swap3A_1183], %swap3A_1186 {strides = array<i32>} : memref<128x128xf32, #tpu.memory_space<vmem>>, vector<1x16xf32>,
        %mul3A_1187 = arith.constant 16 : i32
        %mul3A_1188 = arith.muli %scan3A_34, %mul3A_1187 : i32
        %add3A_1189 = arith.constant 12 : i32
        %add3A_1190 = arith.addi %mul3A_1188, %add3A_1189 : i32
        %broadcast_in_dim3A_1191 = arith.constant 12 : i32
        %broadcast_in_dim3A_1192 = vector.broadcast %broadcast_in_dim3A_1191 : i32 to vector<16xi32>
        %lt3A_1193 = arith.constant 0 : i32
        %lt3A_1194 = vector.broadcast %lt3A_1193 : i32 to vector<16xi32>
        %lt3A_1195 = arith.cmpi slt, %broadcast_in_dim3A_1192, %lt3A_1194 : vector<16xi32>
        %add3A_1196 = arith.constant 16 : i32
        %add3A_1197 = vector.broadcast %add3A_1196 : i32 to vector<16xi32>
        %add3A_1198 = arith.addi %broadcast_in_dim3A_1192, %add3A_1197 : vector<16xi32>
        %select_n3A_1199 = arith.select %lt3A_1195, %add3A_1198, %broadcast_in_dim3A_1192 : vector<16xi1>, vector<16xi32>
        %broadcast_in_dim3A_1200 = vector.shape_cast %select_n3A_1199 : vector<16xi32> to vector<16x1xi32>
        %gather3A_1201 = vector.shape_cast %broadcast_in_dim3A_1200 : vector<16x1xi32> to vector<16xi32>
        %gather3A_1202 = tpu.dynamic_gather %get3A_39[%gather3A_1201] in [0] : vector<16xf32>, vector<16xi32> -> vector<16xf32>
        %get3A_1203 = arith.index_cast %add3A_1190 : i32 to index
        %get3A_1204 = arith.constant 0 : index
        %get3A_1205 = tpu.vector_load %arg11[%get3A_1203, %get3A_1204] {strides = array<i32>} : memref<128x128xf32, #tpu.memory_space<vmem>>, vector<1x16xf32>,
        %get3A_1206 = vector.shape_cast %get3A_1205 : vector<1x16xf32> to vector<16xf32>
        %mul3A_1207 = arith.mulf %get3A_1206, %gather3A_1202 : vector<16xf32>
        %swap3A_1208 = arith.index_cast %add3A_1190 : i32 to index
        %swap3A_1209 = arith.constant 0 : index
        %swap3A_1210 = tpu.vector_load %arg11[%swap3A_1208, %swap3A_1209] {strides = array<i32>} : memref<128x128xf32, #tpu.memory_space<vmem>>, vector<1x16xf32>,
        %swap3A_1211 = vector.shape_cast %swap3A_1210 : vector<1x16xf32> to vector<16xf32>
        %swap3A_1212 = vector.shape_cast %mul3A_1207 : vector<16xf32> to vector<1x16xf32>
        tpu.vector_store %arg11[%swap3A_1208, %swap3A_1209], %swap3A_1212 {strides = array<i32>} : memref<128x128xf32, #tpu.memory_space<vmem>>, vector<1x16xf32>,
        %get3A_1213 = arith.index_cast %add3A_1190 : i32 to index
        %get3A_1214 = arith.constant 16 : index
        %get3A_1215 = tpu.vector_load %arg11[%get3A_1213, %get3A_1214] {strides = array<i32>} : memref<128x128xf32, #tpu.memory_space<vmem>>, vector<1x16xf32>,
        %get3A_1216 = vector.shape_cast %get3A_1215 : vector<1x16xf32> to vector<16xf32>
        %mul3A_1217 = arith.mulf %get3A_1216, %gather3A_1202 : vector<16xf32>
        %swap3A_1218 = arith.index_cast %add3A_1190 : i32 to index
        %swap3A_1219 = arith.constant 16 : index
        %swap3A_1220 = tpu.vector_load %arg11[%swap3A_1218, %swap3A_1219] {strides = array<i32>} : memref<128x128xf32, #tpu.memory_space<vmem>>, vector<1x16xf32>,
        %swap3A_1221 = vector.shape_cast %swap3A_1220 : vector<1x16xf32> to vector<16xf32>
        %swap3A_1222 = vector.shape_cast %mul3A_1217 : vector<16xf32> to vector<1x16xf32>
        tpu.vector_store %arg11[%swap3A_1218, %swap3A_1219], %swap3A_1222 {strides = array<i32>} : memref<128x128xf32, #tpu.memory_space<vmem>>, vector<1x16xf32>,
        %get3A_1223 = arith.index_cast %add3A_1190 : i32 to index
        %get3A_1224 = arith.constant 32 : index
        %get3A_1225 = tpu.vector_load %arg11[%get3A_1223, %get3A_1224] {strides = array<i32>} : memref<128x128xf32, #tpu.memory_space<vmem>>, vector<1x16xf32>,
        %get3A_1226 = vector.shape_cast %get3A_1225 : vector<1x16xf32> to vector<16xf32>
        %mul3A_1227 = arith.mulf %get3A_1226, %gather3A_1202 : vector<16xf32>
        %swap3A_1228 = arith.index_cast %add3A_1190 : i32 to index
        %swap3A_1229 = arith.constant 32 : index
        %swap3A_1230 = tpu.vector_load %arg11[%swap3A_1228, %swap3A_1229] {strides = array<i32>} : memref<128x128xf32, #tpu.memory_space<vmem>>, vector<1x16xf32>,
        %swap3A_1231 = vector.shape_cast %swap3A_1230 : vector<1x16xf32> to vector<16xf32>
        %swap3A_1232 = vector.shape_cast %mul3A_1227 : vector<16xf32> to vector<1x16xf32>
        tpu.vector_store %arg11[%swap3A_1228, %swap3A_1229], %swap3A_1232 {strides = array<i32>} : memref<128x128xf32, #tpu.memory_space<vmem>>, vector<1x16xf32>,
        %get3A_1233 = arith.index_cast %add3A_1190 : i32 to index
        %get3A_1234 = arith.constant 48 : index
        %get3A_1235 = tpu.vector_load %arg11[%get3A_1233, %get3A_1234] {strides = array<i32>} : memref<128x128xf32, #tpu.memory_space<vmem>>, vector<1x16xf32>,
        %get3A_1236 = vector.shape_cast %get3A_1235 : vector<1x16xf32> to vector<16xf32>
        %mul3A_1237 = arith.mulf %get3A_1236, %gather3A_1202 : vector<16xf32>
        %swap3A_1238 = arith.index_cast %add3A_1190 : i32 to index
        %swap3A_1239 = arith.constant 48 : index
        %swap3A_1240 = tpu.vector_load %arg11[%swap3A_1238, %swap3A_1239] {strides = array<i32>} : memref<128x128xf32, #tpu.memory_space<vmem>>, vector<1x16xf32>,
        %swap3A_1241 = vector.shape_cast %swap3A_1240 : vector<1x16xf32> to vector<16xf32>
        %swap3A_1242 = vector.shape_cast %mul3A_1237 : vector<16xf32> to vector<1x16xf32>
        tpu.vector_store %arg11[%swap3A_1238, %swap3A_1239], %swap3A_1242 {strides = array<i32>} : memref<128x128xf32, #tpu.memory_space<vmem>>, vector<1x16xf32>,
        %get3A_1243 = arith.index_cast %add3A_1190 : i32 to index
        %get3A_1244 = arith.constant 64 : index
        %get3A_1245 = tpu.vector_load %arg11[%get3A_1243, %get3A_1244] {strides = array<i32>} : memref<128x128xf32, #tpu.memory_space<vmem>>, vector<1x16xf32>,
        %get3A_1246 = vector.shape_cast %get3A_1245 : vector<1x16xf32> to vector<16xf32>
        %mul3A_1247 = arith.mulf %get3A_1246, %gather3A_1202 : vector<16xf32>
        %swap3A_1248 = arith.index_cast %add3A_1190 : i32 to index
        %swap3A_1249 = arith.constant 64 : index
        %swap3A_1250 = tpu.vector_load %arg11[%swap3A_1248, %swap3A_1249] {strides = array<i32>} : memref<128x128xf32, #tpu.memory_space<vmem>>, vector<1x16xf32>,
        %swap3A_1251 = vector.shape_cast %swap3A_1250 : vector<1x16xf32> to vector<16xf32>
        %swap3A_1252 = vector.shape_cast %mul3A_1247 : vector<16xf32> to vector<1x16xf32>
        tpu.vector_store %arg11[%swap3A_1248, %swap3A_1249], %swap3A_1252 {strides = array<i32>} : memref<128x128xf32, #tpu.memory_space<vmem>>, vector<1x16xf32>,
        %get3A_1253 = arith.index_cast %add3A_1190 : i32 to index
        %get3A_1254 = arith.constant 80 : index
        %get3A_1255 = tpu.vector_load %arg11[%get3A_1253, %get3A_1254] {strides = array<i32>} : memref<128x128xf32, #tpu.memory_space<vmem>>, vector<1x16xf32>,
        %get3A_1256 = vector.shape_cast %get3A_1255 : vector<1x16xf32> to vector<16xf32>
        %mul3A_1257 = arith.mulf %get3A_1256, %gather3A_1202 : vector<16xf32>
        %swap3A_1258 = arith.index_cast %add3A_1190 : i32 to index
        %swap3A_1259 = arith.constant 80 : index
        %swap3A_1260 = tpu.vector_load %arg11[%swap3A_1258, %swap3A_1259] {strides = array<i32>} : memref<128x128xf32, #tpu.memory_space<vmem>>, vector<1x16xf32>,
        %swap3A_1261 = vector.shape_cast %swap3A_1260 : vector<1x16xf32> to vector<16xf32>
        %swap3A_1262 = vector.shape_cast %mul3A_1257 : vector<16xf32> to vector<1x16xf32>
        tpu.vector_store %arg11[%swap3A_1258, %swap3A_1259], %swap3A_1262 {strides = array<i32>} : memref<128x128xf32, #tpu.memory_space<vmem>>, vector<1x16xf32>,
        %get3A_1263 = arith.index_cast %add3A_1190 : i32 to index
        %get3A_1264 = arith.constant 96 : index
        %get3A_1265 = tpu.vector_load %arg11[%get3A_1263, %get3A_1264] {strides = array<i32>} : memref<128x128xf32, #tpu.memory_space<vmem>>, vector<1x16xf32>,
        %get3A_1266 = vector.shape_cast %get3A_1265 : vector<1x16xf32> to vector<16xf32>
        %mul3A_1267 = arith.mulf %get3A_1266, %gather3A_1202 : vector<16xf32>
        %swap3A_1268 = arith.index_cast %add3A_1190 : i32 to index
        %swap3A_1269 = arith.constant 96 : index
        %swap3A_1270 = tpu.vector_load %arg11[%swap3A_1268, %swap3A_1269] {strides = array<i32>} : memref<128x128xf32, #tpu.memory_space<vmem>>, vector<1x16xf32>,
        %swap3A_1271 = vector.shape_cast %swap3A_1270 : vector<1x16xf32> to vector<16xf32>
        %swap3A_1272 = vector.shape_cast %mul3A_1267 : vector<16xf32> to vector<1x16xf32>
        tpu.vector_store %arg11[%swap3A_1268, %swap3A_1269], %swap3A_1272 {strides = array<i32>} : memref<128x128xf32, #tpu.memory_space<vmem>>, vector<1x16xf32>,
        %get3A_1273 = arith.index_cast %add3A_1190 : i32 to index
        %get3A_1274 = arith.constant 112 : index
        %get3A_1275 = tpu.vector_load %arg11[%get3A_1273, %get3A_1274] {strides = array<i32>} : memref<128x128xf32, #tpu.memory_space<vmem>>, vector<1x16xf32>,
        %get3A_1276 = vector.shape_cast %get3A_1275 : vector<1x16xf32> to vector<16xf32>
        %mul3A_1277 = arith.mulf %get3A_1276, %gather3A_1202 : vector<16xf32>
        %swap3A_1278 = arith.index_cast %add3A_1190 : i32 to index
        %swap3A_1279 = arith.constant 112 : index
        %swap3A_1280 = tpu.vector_load %arg11[%swap3A_1278, %swap3A_1279] {strides = array<i32>} : memref<128x128xf32, #tpu.memory_space<vmem>>, vector<1x16xf32>,
        %swap3A_1281 = vector.shape_cast %swap3A_1280 : vector<1x16xf32> to vector<16xf32>
        %swap3A_1282 = vector.shape_cast %mul3A_1277 : vector<16xf32> to vector<1x16xf32>
        tpu.vector_store %arg11[%swap3A_1278, %swap3A_1279], %swap3A_1282 {strides = array<i32>} : memref<128x128xf32, #tpu.memory_space<vmem>>, vector<1x16xf32>,
        %mul3A_1283 = arith.constant 16 : i32
        %mul3A_1284 = arith.muli %scan3A_34, %mul3A_1283 : i32
        %add3A_1285 = arith.constant 13 : i32
        %add3A_1286 = arith.addi %mul3A_1284, %add3A_1285 : i32
        %broadcast_in_dim3A_1287 = arith.constant 13 : i32
        %broadcast_in_dim3A_1288 = vector.broadcast %broadcast_in_dim3A_1287 : i32 to vector<16xi32>
        %lt3A_1289 = arith.constant 0 : i32
        %lt3A_1290 = vector.broadcast %lt3A_1289 : i32 to vector<16xi32>
        %lt3A_1291 = arith.cmpi slt, %broadcast_in_dim3A_1288, %lt3A_1290 : vector<16xi32>
        %add3A_1292 = arith.constant 16 : i32
        %add3A_1293 = vector.broadcast %add3A_1292 : i32 to vector<16xi32>
        %add3A_1294 = arith.addi %broadcast_in_dim3A_1288, %add3A_1293 : vector<16xi32>
        %select_n3A_1295 = arith.select %lt3A_1291, %add3A_1294, %broadcast_in_dim3A_1288 : vector<16xi1>, vector<16xi32>
        %broadcast_in_dim3A_1296 = vector.shape_cast %select_n3A_1295 : vector<16xi32> to vector<16x1xi32>
        %gather3A_1297 = vector.shape_cast %broadcast_in_dim3A_1296 : vector<16x1xi32> to vector<16xi32>
        %gather3A_1298 = tpu.dynamic_gather %get3A_39[%gather3A_1297] in [0] : vector<16xf32>, vector<16xi32> -> vector<16xf32>
        %get3A_1299 = arith.index_cast %add3A_1286 : i32 to index
        %get3A_1300 = arith.constant 0 : index
        %get3A_1301 = tpu.vector_load %arg11[%get3A_1299, %get3A_1300] {strides = array<i32>} : memref<128x128xf32, #tpu.memory_space<vmem>>, vector<1x16xf32>,
        %get3A_1302 = vector.shape_cast %get3A_1301 : vector<1x16xf32> to vector<16xf32>
        %mul3A_1303 = arith.mulf %get3A_1302, %gather3A_1298 : vector<16xf32>
        %swap3A_1304 = arith.index_cast %add3A_1286 : i32 to index
        %swap3A_1305 = arith.constant 0 : index
        %swap3A_1306 = tpu.vector_load %arg11[%swap3A_1304, %swap3A_1305] {strides = array<i32>} : memref<128x128xf32, #tpu.memory_space<vmem>>, vector<1x16xf32>,
        %swap3A_1307 = vector.shape_cast %swap3A_1306 : vector<1x16xf32> to vector<16xf32>
        %swap3A_1308 = vector.shape_cast %mul3A_1303 : vector<16xf32> to vector<1x16xf32>
        tpu.vector_store %arg11[%swap3A_1304, %swap3A_1305], %swap3A_1308 {strides = array<i32>} : memref<128x128xf32, #tpu.memory_space<vmem>>, vector<1x16xf32>,
        %get3A_1309 = arith.index_cast %add3A_1286 : i32 to index
        %get3A_1310 = arith.constant 16 : index
        %get3A_1311 = tpu.vector_load %arg11[%get3A_1309, %get3A_1310] {strides = array<i32>} : memref<128x128xf32, #tpu.memory_space<vmem>>, vector<1x16xf32>,
        %get3A_1312 = vector.shape_cast %get3A_1311 : vector<1x16xf32> to vector<16xf32>
        %mul3A_1313 = arith.mulf %get3A_1312, %gather3A_1298 : vector<16xf32>
        %swap3A_1314 = arith.index_cast %add3A_1286 : i32 to index
        %swap3A_1315 = arith.constant 16 : index
        %swap3A_1316 = tpu.vector_load %arg11[%swap3A_1314, %swap3A_1315] {strides = array<i32>} : memref<128x128xf32, #tpu.memory_space<vmem>>, vector<1x16xf32>,
        %swap3A_1317 = vector.shape_cast %swap3A_1316 : vector<1x16xf32> to vector<16xf32>
        %swap3A_1318 = vector.shape_cast %mul3A_1313 : vector<16xf32> to vector<1x16xf32>
        tpu.vector_store %arg11[%swap3A_1314, %swap3A_1315], %swap3A_1318 {strides = array<i32>} : memref<128x128xf32, #tpu.memory_space<vmem>>, vector<1x16xf32>,
        %get3A_1319 = arith.index_cast %add3A_1286 : i32 to index
        %get3A_1320 = arith.constant 32 : index
        %get3A_1321 = tpu.vector_load %arg11[%get3A_1319, %get3A_1320] {strides = array<i32>} : memref<128x128xf32, #tpu.memory_space<vmem>>, vector<1x16xf32>,
        %get3A_1322 = vector.shape_cast %get3A_1321 : vector<1x16xf32> to vector<16xf32>
        %mul3A_1323 = arith.mulf %get3A_1322, %gather3A_1298 : vector<16xf32>
        %swap3A_1324 = arith.index_cast %add3A_1286 : i32 to index
        %swap3A_1325 = arith.constant 32 : index
        %swap3A_1326 = tpu.vector_load %arg11[%swap3A_1324, %swap3A_1325] {strides = array<i32>} : memref<128x128xf32, #tpu.memory_space<vmem>>, vector<1x16xf32>,
        %swap3A_1327 = vector.shape_cast %swap3A_1326 : vector<1x16xf32> to vector<16xf32>
        %swap3A_1328 = vector.shape_cast %mul3A_1323 : vector<16xf32> to vector<1x16xf32>
        tpu.vector_store %arg11[%swap3A_1324, %swap3A_1325], %swap3A_1328 {strides = array<i32>} : memref<128x128xf32, #tpu.memory_space<vmem>>, vector<1x16xf32>,
        %get3A_1329 = arith.index_cast %add3A_1286 : i32 to index
        %get3A_1330 = arith.constant 48 : index
        %get3A_1331 = tpu.vector_load %arg11[%get3A_1329, %get3A_1330] {strides = array<i32>} : memref<128x128xf32, #tpu.memory_space<vmem>>, vector<1x16xf32>,
        %get3A_1332 = vector.shape_cast %get3A_1331 : vector<1x16xf32> to vector<16xf32>
        %mul3A_1333 = arith.mulf %get3A_1332, %gather3A_1298 : vector<16xf32>
        %swap3A_1334 = arith.index_cast %add3A_1286 : i32 to index
        %swap3A_1335 = arith.constant 48 : index
        %swap3A_1336 = tpu.vector_load %arg11[%swap3A_1334, %swap3A_1335] {strides = array<i32>} : memref<128x128xf32, #tpu.memory_space<vmem>>, vector<1x16xf32>,
        %swap3A_1337 = vector.shape_cast %swap3A_1336 : vector<1x16xf32> to vector<16xf32>
        %swap3A_1338 = vector.shape_cast %mul3A_1333 : vector<16xf32> to vector<1x16xf32>
        tpu.vector_store %arg11[%swap3A_1334, %swap3A_1335], %swap3A_1338 {strides = array<i32>} : memref<128x128xf32, #tpu.memory_space<vmem>>, vector<1x16xf32>,
        %get3A_1339 = arith.index_cast %add3A_1286 : i32 to index
        %get3A_1340 = arith.constant 64 : index
        %get3A_1341 = tpu.vector_load %arg11[%get3A_1339, %get3A_1340] {strides = array<i32>} : memref<128x128xf32, #tpu.memory_space<vmem>>, vector<1x16xf32>,
        %get3A_1342 = vector.shape_cast %get3A_1341 : vector<1x16xf32> to vector<16xf32>
        %mul3A_1343 = arith.mulf %get3A_1342, %gather3A_1298 : vector<16xf32>
        %swap3A_1344 = arith.index_cast %add3A_1286 : i32 to index
        %swap3A_1345 = arith.constant 64 : index
        %swap3A_1346 = tpu.vector_load %arg11[%swap3A_1344, %swap3A_1345] {strides = array<i32>} : memref<128x128xf32, #tpu.memory_space<vmem>>, vector<1x16xf32>,
        %swap3A_1347 = vector.shape_cast %swap3A_1346 : vector<1x16xf32> to vector<16xf32>
        %swap3A_1348 = vector.shape_cast %mul3A_1343 : vector<16xf32> to vector<1x16xf32>
        tpu.vector_store %arg11[%swap3A_1344, %swap3A_1345], %swap3A_1348 {strides = array<i32>} : memref<128x128xf32, #tpu.memory_space<vmem>>, vector<1x16xf32>,
        %get3A_1349 = arith.index_cast %add3A_1286 : i32 to index
        %get3A_1350 = arith.constant 80 : index
        %get3A_1351 = tpu.vector_load %arg11[%get3A_1349, %get3A_1350] {strides = array<i32>} : memref<128x128xf32, #tpu.memory_space<vmem>>, vector<1x16xf32>,
        %get3A_1352 = vector.shape_cast %get3A_1351 : vector<1x16xf32> to vector<16xf32>
        %mul3A_1353 = arith.mulf %get3A_1352, %gather3A_1298 : vector<16xf32>
        %swap3A_1354 = arith.index_cast %add3A_1286 : i32 to index
        %swap3A_1355 = arith.constant 80 : index
        %swap3A_1356 = tpu.vector_load %arg11[%swap3A_1354, %swap3A_1355] {strides = array<i32>} : memref<128x128xf32, #tpu.memory_space<vmem>>, vector<1x16xf32>,
        %swap3A_1357 = vector.shape_cast %swap3A_1356 : vector<1x16xf32> to vector<16xf32>
        %swap3A_1358 = vector.shape_cast %mul3A_1353 : vector<16xf32> to vector<1x16xf32>
        tpu.vector_store %arg11[%swap3A_1354, %swap3A_1355], %swap3A_1358 {strides = array<i32>} : memref<128x128xf32, #tpu.memory_space<vmem>>, vector<1x16xf32>,
        %get3A_1359 = arith.index_cast %add3A_1286 : i32 to index
        %get3A_1360 = arith.constant 96 : index
        %get3A_1361 = tpu.vector_load %arg11[%get3A_1359, %get3A_1360] {strides = array<i32>} : memref<128x128xf32, #tpu.memory_space<vmem>>, vector<1x16xf32>,
        %get3A_1362 = vector.shape_cast %get3A_1361 : vector<1x16xf32> to vector<16xf32>
        %mul3A_1363 = arith.mulf %get3A_1362, %gather3A_1298 : vector<16xf32>
        %swap3A_1364 = arith.index_cast %add3A_1286 : i32 to index
        %swap3A_1365 = arith.constant 96 : index
        %swap3A_1366 = tpu.vector_load %arg11[%swap3A_1364, %swap3A_1365] {strides = array<i32>} : memref<128x128xf32, #tpu.memory_space<vmem>>, vector<1x16xf32>,
        %swap3A_1367 = vector.shape_cast %swap3A_1366 : vector<1x16xf32> to vector<16xf32>
        %swap3A_1368 = vector.shape_cast %mul3A_1363 : vector<16xf32> to vector<1x16xf32>
        tpu.vector_store %arg11[%swap3A_1364, %swap3A_1365], %swap3A_1368 {strides = array<i32>} : memref<128x128xf32, #tpu.memory_space<vmem>>, vector<1x16xf32>,
        %get3A_1369 = arith.index_cast %add3A_1286 : i32 to index
        %get3A_1370 = arith.constant 112 : index
        %get3A_1371 = tpu.vector_load %arg11[%get3A_1369, %get3A_1370] {strides = array<i32>} : memref<128x128xf32, #tpu.memory_space<vmem>>, vector<1x16xf32>,
        %get3A_1372 = vector.shape_cast %get3A_1371 : vector<1x16xf32> to vector<16xf32>
        %mul3A_1373 = arith.mulf %get3A_1372, %gather3A_1298 : vector<16xf32>
        %swap3A_1374 = arith.index_cast %add3A_1286 : i32 to index
        %swap3A_1375 = arith.constant 112 : index
        %swap3A_1376 = tpu.vector_load %arg11[%swap3A_1374, %swap3A_1375] {strides = array<i32>} : memref<128x128xf32, #tpu.memory_space<vmem>>, vector<1x16xf32>,
        %swap3A_1377 = vector.shape_cast %swap3A_1376 : vector<1x16xf32> to vector<16xf32>
        %swap3A_1378 = vector.shape_cast %mul3A_1373 : vector<16xf32> to vector<1x16xf32>
        tpu.vector_store %arg11[%swap3A_1374, %swap3A_1375], %swap3A_1378 {strides = array<i32>} : memref<128x128xf32, #tpu.memory_space<vmem>>, vector<1x16xf32>,
        %mul3A_1379 = arith.constant 16 : i32
        %mul3A_1380 = arith.muli %scan3A_34, %mul3A_1379 : i32
        %add3A_1381 = arith.constant 14 : i32
        %add3A_1382 = arith.addi %mul3A_1380, %add3A_1381 : i32
        %broadcast_in_dim3A_1383 = arith.constant 14 : i32
        %broadcast_in_dim3A_1384 = vector.broadcast %broadcast_in_dim3A_1383 : i32 to vector<16xi32>
        %lt3A_1385 = arith.constant 0 : i32
        %lt3A_1386 = vector.broadcast %lt3A_1385 : i32 to vector<16xi32>
        %lt3A_1387 = arith.cmpi slt, %broadcast_in_dim3A_1384, %lt3A_1386 : vector<16xi32>
        %add3A_1388 = arith.constant 16 : i32
        %add3A_1389 = vector.broadcast %add3A_1388 : i32 to vector<16xi32>
        %add3A_1390 = arith.addi %broadcast_in_dim3A_1384, %add3A_1389 : vector<16xi32>
        %select_n3A_1391 = arith.select %lt3A_1387, %add3A_1390, %broadcast_in_dim3A_1384 : vector<16xi1>, vector<16xi32>
        %broadcast_in_dim3A_1392 = vector.shape_cast %select_n3A_1391 : vector<16xi32> to vector<16x1xi32>
        %gather3A_1393 = vector.shape_cast %broadcast_in_dim3A_1392 : vector<16x1xi32> to vector<16xi32>
        %gather3A_1394 = tpu.dynamic_gather %get3A_39[%gather3A_1393] in [0] : vector<16xf32>, vector<16xi32> -> vector<16xf32>
        %get3A_1395 = arith.index_cast %add3A_1382 : i32 to index
        %get3A_1396 = arith.constant 0 : index
        %get3A_1397 = tpu.vector_load %arg11[%get3A_1395, %get3A_1396] {strides = array<i32>} : memref<128x128xf32, #tpu.memory_space<vmem>>, vector<1x16xf32>,
        %get3A_1398 = vector.shape_cast %get3A_1397 : vector<1x16xf32> to vector<16xf32>
        %mul3A_1399 = arith.mulf %get3A_1398, %gather3A_1394 : vector<16xf32>
        %swap3A_1400 = arith.index_cast %add3A_1382 : i32 to index
        %swap3A_1401 = arith.constant 0 : index
        %swap3A_1402 = tpu.vector_load %arg11[%swap3A_1400, %swap3A_1401] {strides = array<i32>} : memref<128x128xf32, #tpu.memory_space<vmem>>, vector<1x16xf32>,
        %swap3A_1403 = vector.shape_cast %swap3A_1402 : vector<1x16xf32> to vector<16xf32>
        %swap3A_1404 = vector.shape_cast %mul3A_1399 : vector<16xf32> to vector<1x16xf32>
        tpu.vector_store %arg11[%swap3A_1400, %swap3A_1401], %swap3A_1404 {strides = array<i32>} : memref<128x128xf32, #tpu.memory_space<vmem>>, vector<1x16xf32>,
        %get3A_1405 = arith.index_cast %add3A_1382 : i32 to index
        %get3A_1406 = arith.constant 16 : index
        %get3A_1407 = tpu.vector_load %arg11[%get3A_1405, %get3A_1406] {strides = array<i32>} : memref<128x128xf32, #tpu.memory_space<vmem>>, vector<1x16xf32>,
        %get3A_1408 = vector.shape_cast %get3A_1407 : vector<1x16xf32> to vector<16xf32>
        %mul3A_1409 = arith.mulf %get3A_1408, %gather3A_1394 : vector<16xf32>
        %swap3A_1410 = arith.index_cast %add3A_1382 : i32 to index
        %swap3A_1411 = arith.constant 16 : index
        %swap3A_1412 = tpu.vector_load %arg11[%swap3A_1410, %swap3A_1411] {strides = array<i32>} : memref<128x128xf32, #tpu.memory_space<vmem>>, vector<1x16xf32>,
        %swap3A_1413 = vector.shape_cast %swap3A_1412 : vector<1x16xf32> to vector<16xf32>
        %swap3A_1414 = vector.shape_cast %mul3A_1409 : vector<16xf32> to vector<1x16xf32>
        tpu.vector_store %arg11[%swap3A_1410, %swap3A_1411], %swap3A_1414 {strides = array<i32>} : memref<128x128xf32, #tpu.memory_space<vmem>>, vector<1x16xf32>,
        %get3A_1415 = arith.index_cast %add3A_1382 : i32 to index
        %get3A_1416 = arith.constant 32 : index
        %get3A_1417 = tpu.vector_load %arg11[%get3A_1415, %get3A_1416] {strides = array<i32>} : memref<128x128xf32, #tpu.memory_space<vmem>>, vector<1x16xf32>,
        %get3A_1418 = vector.shape_cast %get3A_1417 : vector<1x16xf32> to vector<16xf32>
        %mul3A_1419 = arith.mulf %get3A_1418, %gather3A_1394 : vector<16xf32>
        %swap3A_1420 = arith.index_cast %add3A_1382 : i32 to index
        %swap3A_1421 = arith.constant 32 : index
        %swap3A_1422 = tpu.vector_load %arg11[%swap3A_1420, %swap3A_1421] {strides = array<i32>} : memref<128x128xf32, #tpu.memory_space<vmem>>, vector<1x16xf32>,
        %swap3A_1423 = vector.shape_cast %swap3A_1422 : vector<1x16xf32> to vector<16xf32>
        %swap3A_1424 = vector.shape_cast %mul3A_1419 : vector<16xf32> to vector<1x16xf32>
        tpu.vector_store %arg11[%swap3A_1420, %swap3A_1421], %swap3A_1424 {strides = array<i32>} : memref<128x128xf32, #tpu.memory_space<vmem>>, vector<1x16xf32>,
        %get3A_1425 = arith.index_cast %add3A_1382 : i32 to index
        %get3A_1426 = arith.constant 48 : index
        %get3A_1427 = tpu.vector_load %arg11[%get3A_1425, %get3A_1426] {strides = array<i32>} : memref<128x128xf32, #tpu.memory_space<vmem>>, vector<1x16xf32>,
        %get3A_1428 = vector.shape_cast %get3A_1427 : vector<1x16xf32> to vector<16xf32>
        %mul3A_1429 = arith.mulf %get3A_1428, %gather3A_1394 : vector<16xf32>
        %swap3A_1430 = arith.index_cast %add3A_1382 : i32 to index
        %swap3A_1431 = arith.constant 48 : index
        %swap3A_1432 = tpu.vector_load %arg11[%swap3A_1430, %swap3A_1431] {strides = array<i32>} : memref<128x128xf32, #tpu.memory_space<vmem>>, vector<1x16xf32>,
        %swap3A_1433 = vector.shape_cast %swap3A_1432 : vector<1x16xf32> to vector<16xf32>
        %swap3A_1434 = vector.shape_cast %mul3A_1429 : vector<16xf32> to vector<1x16xf32>
        tpu.vector_store %arg11[%swap3A_1430, %swap3A_1431], %swap3A_1434 {strides = array<i32>} : memref<128x128xf32, #tpu.memory_space<vmem>>, vector<1x16xf32>,
        %get3A_1435 = arith.index_cast %add3A_1382 : i32 to index
        %get3A_1436 = arith.constant 64 : index
        %get3A_1437 = tpu.vector_load %arg11[%get3A_1435, %get3A_1436] {strides = array<i32>} : memref<128x128xf32, #tpu.memory_space<vmem>>, vector<1x16xf32>,
        %get3A_1438 = vector.shape_cast %get3A_1437 : vector<1x16xf32> to vector<16xf32>
        %mul3A_1439 = arith.mulf %get3A_1438, %gather3A_1394 : vector<16xf32>
        %swap3A_1440 = arith.index_cast %add3A_1382 : i32 to index
        %swap3A_1441 = arith.constant 64 : index
        %swap3A_1442 = tpu.vector_load %arg11[%swap3A_1440, %swap3A_1441] {strides = array<i32>} : memref<128x128xf32, #tpu.memory_space<vmem>>, vector<1x16xf32>,
        %swap3A_1443 = vector.shape_cast %swap3A_1442 : vector<1x16xf32> to vector<16xf32>
        %swap3A_1444 = vector.shape_cast %mul3A_1439 : vector<16xf32> to vector<1x16xf32>
        tpu.vector_store %arg11[%swap3A_1440, %swap3A_1441], %swap3A_1444 {strides = array<i32>} : memref<128x128xf32, #tpu.memory_space<vmem>>, vector<1x16xf32>,
        %get3A_1445 = arith.index_cast %add3A_1382 : i32 to index
        %get3A_1446 = arith.constant 80 : index
        %get3A_1447 = tpu.vector_load %arg11[%get3A_1445, %get3A_1446] {strides = array<i32>} : memref<128x128xf32, #tpu.memory_space<vmem>>, vector<1x16xf32>,
        %get3A_1448 = vector.shape_cast %get3A_1447 : vector<1x16xf32> to vector<16xf32>
        %mul3A_1449 = arith.mulf %get3A_1448, %gather3A_1394 : vector<16xf32>
        %swap3A_1450 = arith.index_cast %add3A_1382 : i32 to index
        %swap3A_1451 = arith.constant 80 : index
        %swap3A_1452 = tpu.vector_load %arg11[%swap3A_1450, %swap3A_1451] {strides = array<i32>} : memref<128x128xf32, #tpu.memory_space<vmem>>, vector<1x16xf32>,
        %swap3A_1453 = vector.shape_cast %swap3A_1452 : vector<1x16xf32> to vector<16xf32>
        %swap3A_1454 = vector.shape_cast %mul3A_1449 : vector<16xf32> to vector<1x16xf32>
        tpu.vector_store %arg11[%swap3A_1450, %swap3A_1451], %swap3A_1454 {strides = array<i32>} : memref<128x128xf32, #tpu.memory_space<vmem>>, vector<1x16xf32>,
        %get3A_1455 = arith.index_cast %add3A_1382 : i32 to index
        %get3A_1456 = arith.constant 96 : index
        %get3A_1457 = tpu.vector_load %arg11[%get3A_1455, %get3A_1456] {strides = array<i32>} : memref<128x128xf32, #tpu.memory_space<vmem>>, vector<1x16xf32>,
        %get3A_1458 = vector.shape_cast %get3A_1457 : vector<1x16xf32> to vector<16xf32>
        %mul3A_1459 = arith.mulf %get3A_1458, %gather3A_1394 : vector<16xf32>
        %swap3A_1460 = arith.index_cast %add3A_1382 : i32 to index
        %swap3A_1461 = arith.constant 96 : index
        %swap3A_1462 = tpu.vector_load %arg11[%swap3A_1460, %swap3A_1461] {strides = array<i32>} : memref<128x128xf32, #tpu.memory_space<vmem>>, vector<1x16xf32>,
        %swap3A_1463 = vector.shape_cast %swap3A_1462 : vector<1x16xf32> to vector<16xf32>
        %swap3A_1464 = vector.shape_cast %mul3A_1459 : vector<16xf32> to vector<1x16xf32>
        tpu.vector_store %arg11[%swap3A_1460, %swap3A_1461], %swap3A_1464 {strides = array<i32>} : memref<128x128xf32, #tpu.memory_space<vmem>>, vector<1x16xf32>,
        %get3A_1465 = arith.index_cast %add3A_1382 : i32 to index
        %get3A_1466 = arith.constant 112 : index
        %get3A_1467 = tpu.vector_load %arg11[%get3A_1465, %get3A_1466] {strides = array<i32>} : memref<128x128xf32, #tpu.memory_space<vmem>>, vector<1x16xf32>,
        %get3A_1468 = vector.shape_cast %get3A_1467 : vector<1x16xf32> to vector<16xf32>
        %mul3A_1469 = arith.mulf %get3A_1468, %gather3A_1394 : vector<16xf32>
        %swap3A_1470 = arith.index_cast %add3A_1382 : i32 to index
        %swap3A_1471 = arith.constant 112 : index
        %swap3A_1472 = tpu.vector_load %arg11[%swap3A_1470, %swap3A_1471] {strides = array<i32>} : memref<128x128xf32, #tpu.memory_space<vmem>>, vector<1x16xf32>,
        %swap3A_1473 = vector.shape_cast %swap3A_1472 : vector<1x16xf32> to vector<16xf32>
        %swap3A_1474 = vector.shape_cast %mul3A_1469 : vector<16xf32> to vector<1x16xf32>
        tpu.vector_store %arg11[%swap3A_1470, %swap3A_1471], %swap3A_1474 {strides = array<i32>} : memref<128x128xf32, #tpu.memory_space<vmem>>, vector<1x16xf32>,
        %mul3A_1475 = arith.constant 16 : i32
        %mul3A_1476 = arith.muli %scan3A_34, %mul3A_1475 : i32
        %add3A_1477 = arith.constant 15 : i32
        %add3A_1478 = arith.addi %mul3A_1476, %add3A_1477 : i32
        %broadcast_in_dim3A_1479 = arith.constant 15 : i32
        %broadcast_in_dim3A_1480 = vector.broadcast %broadcast_in_dim3A_1479 : i32 to vector<16xi32>
        %lt3A_1481 = arith.constant 0 : i32
        %lt3A_1482 = vector.broadcast %lt3A_1481 : i32 to vector<16xi32>
        %lt3A_1483 = arith.cmpi slt, %broadcast_in_dim3A_1480, %lt3A_1482 : vector<16xi32>
        %add3A_1484 = arith.constant 16 : i32
        %add3A_1485 = vector.broadcast %add3A_1484 : i32 to vector<16xi32>
        %add3A_1486 = arith.addi %broadcast_in_dim3A_1480, %add3A_1485 : vector<16xi32>
        %select_n3A_1487 = arith.select %lt3A_1483, %add3A_1486, %broadcast_in_dim3A_1480 : vector<16xi1>, vector<16xi32>
        %broadcast_in_dim3A_1488 = vector.shape_cast %select_n3A_1487 : vector<16xi32> to vector<16x1xi32>
        %gather3A_1489 = vector.shape_cast %broadcast_in_dim3A_1488 : vector<16x1xi32> to vector<16xi32>
        %gather3A_1490 = tpu.dynamic_gather %get3A_39[%gather3A_1489] in [0] : vector<16xf32>, vector<16xi32> -> vector<16xf32>
        %get3A_1491 = arith.index_cast %add3A_1478 : i32 to index
        %get3A_1492 = arith.constant 0 : index
        %get3A_1493 = tpu.vector_load %arg11[%get3A_1491, %get3A_1492] {strides = array<i32>} : memref<128x128xf32, #tpu.memory_space<vmem>>, vector<1x16xf32>,
        %get3A_1494 = vector.shape_cast %get3A_1493 : vector<1x16xf32> to vector<16xf32>
        %mul3A_1495 = arith.mulf %get3A_1494, %gather3A_1490 : vector<16xf32>
        %swap3A_1496 = arith.index_cast %add3A_1478 : i32 to index
        %swap3A_1497 = arith.constant 0 : index
        %swap3A_1498 = tpu.vector_load %arg11[%swap3A_1496, %swap3A_1497] {strides = array<i32>} : memref<128x128xf32, #tpu.memory_space<vmem>>, vector<1x16xf32>,
        %swap3A_1499 = vector.shape_cast %swap3A_1498 : vector<1x16xf32> to vector<16xf32>
        %swap3A_1500 = vector.shape_cast %mul3A_1495 : vector<16xf32> to vector<1x16xf32>
        tpu.vector_store %arg11[%swap3A_1496, %swap3A_1497], %swap3A_1500 {strides = array<i32>} : memref<128x128xf32, #tpu.memory_space<vmem>>, vector<1x16xf32>,
        %get3A_1501 = arith.index_cast %add3A_1478 : i32 to index
        %get3A_1502 = arith.constant 16 : index
        %get3A_1503 = tpu.vector_load %arg11[%get3A_1501, %get3A_1502] {strides = array<i32>} : memref<128x128xf32, #tpu.memory_space<vmem>>, vector<1x16xf32>,
        %get3A_1504 = vector.shape_cast %get3A_1503 : vector<1x16xf32> to vector<16xf32>
        %mul3A_1505 = arith.mulf %get3A_1504, %gather3A_1490 : vector<16xf32>
        %swap3A_1506 = arith.index_cast %add3A_1478 : i32 to index
        %swap3A_1507 = arith.constant 16 : index
        %swap3A_1508 = tpu.vector_load %arg11[%swap3A_1506, %swap3A_1507] {strides = array<i32>} : memref<128x128xf32, #tpu.memory_space<vmem>>, vector<1x16xf32>,
        %swap3A_1509 = vector.shape_cast %swap3A_1508 : vector<1x16xf32> to vector<16xf32>
        %swap3A_1510 = vector.shape_cast %mul3A_1505 : vector<16xf32> to vector<1x16xf32>
        tpu.vector_store %arg11[%swap3A_1506, %swap3A_1507], %swap3A_1510 {strides = array<i32>} : memref<128x128xf32, #tpu.memory_space<vmem>>, vector<1x16xf32>,
        %get3A_1511 = arith.index_cast %add3A_1478 : i32 to index
        %get3A_1512 = arith.constant 32 : index
        %get3A_1513 = tpu.vector_load %arg11[%get3A_1511, %get3A_1512] {strides = array<i32>} : memref<128x128xf32, #tpu.memory_space<vmem>>, vector<1x16xf32>,
        %get3A_1514 = vector.shape_cast %get3A_1513 : vector<1x16xf32> to vector<16xf32>
        %mul3A_1515 = arith.mulf %get3A_1514, %gather3A_1490 : vector<16xf32>
        %swap3A_1516 = arith.index_cast %add3A_1478 : i32 to index
        %swap3A_1517 = arith.constant 32 : index
        %swap3A_1518 = tpu.vector_load %arg11[%swap3A_1516, %swap3A_1517] {strides = array<i32>} : memref<128x128xf32, #tpu.memory_space<vmem>>, vector<1x16xf32>,
        %swap3A_1519 = vector.shape_cast %swap3A_1518 : vector<1x16xf32> to vector<16xf32>
        %swap3A_1520 = vector.shape_cast %mul3A_1515 : vector<16xf32> to vector<1x16xf32>
        tpu.vector_store %arg11[%swap3A_1516, %swap3A_1517], %swap3A_1520 {strides = array<i32>} : memref<128x128xf32, #tpu.memory_space<vmem>>, vector<1x16xf32>,
        %get3A_1521 = arith.index_cast %add3A_1478 : i32 to index
        %get3A_1522 = arith.constant 48 : index
        %get3A_1523 = tpu.vector_load %arg11[%get3A_1521, %get3A_1522] {strides = array<i32>} : memref<128x128xf32, #tpu.memory_space<vmem>>, vector<1x16xf32>,
        %get3A_1524 = vector.shape_cast %get3A_1523 : vector<1x16xf32> to vector<16xf32>
        %mul3A_1525 = arith.mulf %get3A_1524, %gather3A_1490 : vector<16xf32>
        %swap3A_1526 = arith.index_cast %add3A_1478 : i32 to index
        %swap3A_1527 = arith.constant 48 : index
        %swap3A_1528 = tpu.vector_load %arg11[%swap3A_1526, %swap3A_1527] {strides = array<i32>} : memref<128x128xf32, #tpu.memory_space<vmem>>, vector<1x16xf32>,
        %swap3A_1529 = vector.shape_cast %swap3A_1528 : vector<1x16xf32> to vector<16xf32>
        %swap3A_1530 = vector.shape_cast %mul3A_1525 : vector<16xf32> to vector<1x16xf32>
        tpu.vector_store %arg11[%swap3A_1526, %swap3A_1527], %swap3A_1530 {strides = array<i32>} : memref<128x128xf32, #tpu.memory_space<vmem>>, vector<1x16xf32>,
        %get3A_1531 = arith.index_cast %add3A_1478 : i32 to index
        %get3A_1532 = arith.constant 64 : index
        %get3A_1533 = tpu.vector_load %arg11[%get3A_1531, %get3A_1532] {strides = array<i32>} : memref<128x128xf32, #tpu.memory_space<vmem>>, vector<1x16xf32>,
        %get3A_1534 = vector.shape_cast %get3A_1533 : vector<1x16xf32> to vector<16xf32>
        %mul3A_1535 = arith.mulf %get3A_1534, %gather3A_1490 : vector<16xf32>
        %swap3A_1536 = arith.index_cast %add3A_1478 : i32 to index
        %swap3A_1537 = arith.constant 64 : index
        %swap3A_1538 = tpu.vector_load %arg11[%swap3A_1536, %swap3A_1537] {strides = array<i32>} : memref<128x128xf32, #tpu.memory_space<vmem>>, vector<1x16xf32>,
        %swap3A_1539 = vector.shape_cast %swap3A_1538 : vector<1x16xf32> to vector<16xf32>
        %swap3A_1540 = vector.shape_cast %mul3A_1535 : vector<16xf32> to vector<1x16xf32>
        tpu.vector_store %arg11[%swap3A_1536, %swap3A_1537], %swap3A_1540 {strides = array<i32>} : memref<128x128xf32, #tpu.memory_space<vmem>>, vector<1x16xf32>,
        %get3A_1541 = arith.index_cast %add3A_1478 : i32 to index
        %get3A_1542 = arith.constant 80 : index
        %get3A_1543 = tpu.vector_load %arg11[%get3A_1541, %get3A_1542] {strides = array<i32>} : memref<128x128xf32, #tpu.memory_space<vmem>>, vector<1x16xf32>,
        %get3A_1544 = vector.shape_cast %get3A_1543 : vector<1x16xf32> to vector<16xf32>
        %mul3A_1545 = arith.mulf %get3A_1544, %gather3A_1490 : vector<16xf32>
        %swap3A_1546 = arith.index_cast %add3A_1478 : i32 to index
        %swap3A_1547 = arith.constant 80 : index
        %swap3A_1548 = tpu.vector_load %arg11[%swap3A_1546, %swap3A_1547] {strides = array<i32>} : memref<128x128xf32, #tpu.memory_space<vmem>>, vector<1x16xf32>,
        %swap3A_1549 = vector.shape_cast %swap3A_1548 : vector<1x16xf32> to vector<16xf32>
        %swap3A_1550 = vector.shape_cast %mul3A_1545 : vector<16xf32> to vector<1x16xf32>
        tpu.vector_store %arg11[%swap3A_1546, %swap3A_1547], %swap3A_1550 {strides = array<i32>} : memref<128x128xf32, #tpu.memory_space<vmem>>, vector<1x16xf32>,
        %get3A_1551 = arith.index_cast %add3A_1478 : i32 to index
        %get3A_1552 = arith.constant 96 : index
        %get3A_1553 = tpu.vector_load %arg11[%get3A_1551, %get3A_1552] {strides = array<i32>} : memref<128x128xf32, #tpu.memory_space<vmem>>, vector<1x16xf32>,
        %get3A_1554 = vector.shape_cast %get3A_1553 : vector<1x16xf32> to vector<16xf32>
        %mul3A_1555 = arith.mulf %get3A_1554, %gather3A_1490 : vector<16xf32>
        %swap3A_1556 = arith.index_cast %add3A_1478 : i32 to index
        %swap3A_1557 = arith.constant 96 : index
        %swap3A_1558 = tpu.vector_load %arg11[%swap3A_1556, %swap3A_1557] {strides = array<i32>} : memref<128x128xf32, #tpu.memory_space<vmem>>, vector<1x16xf32>,
        %swap3A_1559 = vector.shape_cast %swap3A_1558 : vector<1x16xf32> to vector<16xf32>
        %swap3A_1560 = vector.shape_cast %mul3A_1555 : vector<16xf32> to vector<1x16xf32>
        tpu.vector_store %arg11[%swap3A_1556, %swap3A_1557], %swap3A_1560 {strides = array<i32>} : memref<128x128xf32, #tpu.memory_space<vmem>>, vector<1x16xf32>,
        %get3A_1561 = arith.index_cast %add3A_1478 : i32 to index
        %get3A_1562 = arith.constant 112 : index
        %get3A_1563 = tpu.vector_load %arg11[%get3A_1561, %get3A_1562] {strides = array<i32>} : memref<128x128xf32, #tpu.memory_space<vmem>>, vector<1x16xf32>,
        %get3A_1564 = vector.shape_cast %get3A_1563 : vector<1x16xf32> to vector<16xf32>
        %mul3A_1565 = arith.mulf %get3A_1564, %gather3A_1490 : vector<16xf32>
        %swap3A_1566 = arith.index_cast %add3A_1478 : i32 to index
        %swap3A_1567 = arith.constant 112 : index
        %swap3A_1568 = tpu.vector_load %arg11[%swap3A_1566, %swap3A_1567] {strides = array<i32>} : memref<128x128xf32, #tpu.memory_space<vmem>>, vector<1x16xf32>,
        %swap3A_1569 = vector.shape_cast %swap3A_1568 : vector<1x16xf32> to vector<16xf32>
        %swap3A_1570 = vector.shape_cast %mul3A_1565 : vector<16xf32> to vector<1x16xf32>
        tpu.vector_store %arg11[%swap3A_1566, %swap3A_1567], %swap3A_1570 {strides = array<i32>} : memref<128x128xf32, #tpu.memory_space<vmem>>, vector<1x16xf32>,
      }
      %scan3A_33 = arith.constant 8 : i32
      "tpu.region"() ({
        %run_scoped3A = tpu.sem_alloc : memref<!tpu.dma_semaphore, #tpu.memory_space<semaphore_mem>>
        %dma_start3A_34 = arith.constant 0 : i32
        %dma_start3A_35 = tpu.memref_slice %arg9[%scan3A_17, %dma_start3A_34] : memref<80x128xi32, #tpu.memory_space<vmem>> -> memref<1x128xi32, #tpu.memory_space<vmem>>
        %dma_start3A_36 = tpu.memref_squeeze %dma_start3A_35 : memref<1x128xi32, #tpu.memory_space<vmem>> -> memref<128xi32, #tpu.memory_space<vmem>>
        %dma_start3A_37 = arith.constant 0 : i32
        %dma_start3A_38 = arith.constant 0 : i32
        %dma_start3A_39 = tpu.memref_slice %arg12[%dma_start3A_37, %dma_start3A_38] : memref<10240x128xf32, #tpu.memory_space<vmem_shared>> -> memref<10240x128xf32, #tpu.memory_space<vmem_shared>>
        tpu.enqueue_indirect_dma source(%arg11 : memref<128x128xf32, #tpu.memory_space<vmem>>) target(%dma_start3A_39 : memref<10240x128xf32, #tpu.memory_space<vmem_shared>>) offsets(%dma_start3A_36 : memref<128xi32, #tpu.memory_space<vmem>>) semaphore(%run_scoped3A : memref<!tpu.dma_semaphore, #tpu.memory_space<semaphore_mem>>) {add = true}
        %dma_wait3A_40 = arith.constant 0 : i32
        %dma_wait3A_41 = tpu.memref_slice %arg9[%scan3A_17, %dma_wait3A_40] : memref<80x128xi32, #tpu.memory_space<vmem>> -> memref<1x128xi32, #tpu.memory_space<vmem>>
        %dma_wait3A_42 = tpu.memref_squeeze %dma_wait3A_41 : memref<1x128xi32, #tpu.memory_space<vmem>> -> memref<128xi32, #tpu.memory_space<vmem>>
        %dma_wait3A_43 = arith.constant 0 : i32
        %dma_wait3A_44 = arith.constant 0 : i32
        %dma_wait3A_45 = tpu.memref_slice %arg12[%dma_wait3A_43, %dma_wait3A_44] : memref<10240x128xf32, #tpu.memory_space<vmem_shared>> -> memref<10240x128xf32, #tpu.memory_space<vmem_shared>>
        tpu.wait_indirect_dma semaphore(%run_scoped3A : memref<!tpu.dma_semaphore, #tpu.memory_space<semaphore_mem>>) src(%arg11 : memref<128x128xf32, #tpu.memory_space<vmem>>) dst(%dma_wait3A_45 : memref<10240x128xf32, #tpu.memory_space<vmem_shared>>)
        tpu.yield
      }) : () -> ()
    }
    %scan3A_11 = arith.constant 80 : i32
    %barrier3A_12 = arith.constant 0 : index
    tpu.barrier barrier_id(%barrier3A_12)
    %mul3A_13 = arith.constant 640 : i32
    %mul3A_14 = arith.muli %arg1, %mul3A_13 : i32
    %mul3A_15 = arith.constant 640 : i32
    %mul3A_16 = arith.muli %arg1, %mul3A_15 : i32
    "tpu.region"() ({
      %run_scoped3A = tpu.sem_alloc : memref<!tpu.dma_semaphore, #tpu.memory_space<semaphore_mem>>
      %dma_start3A = arith.constant 0 : i32
      %dma_start3A_17 = tpu.memref_slice %arg7[%arg0, %mul3A_16, %dma_start3A] : memref<2x10240x128xf32, #tpu.memory_space<hbm>> -> memref<1x640x128xf32, #tpu.memory_space<hbm>>
      %dma_start3A_18 = tpu.memref_squeeze %dma_start3A_17 : memref<1x640x128xf32, #tpu.memory_space<hbm>> -> memref<640x128xf32, #tpu.memory_space<hbm>>
      %dma_start3A_19 = arith.constant 0 : i32
      %dma_start3A_20 = tpu.memref_slice %arg12[%mul3A_14, %dma_start3A_19] : memref<10240x128xf32, #tpu.memory_space<vmem_shared>> -> memref<640x128xf32, #tpu.memory_space<vmem_shared>>
      tpu.enqueue_dma source(%dma_start3A_20 : memref<640x128xf32, #tpu.memory_space<vmem_shared>>) target(%dma_start3A_18 : memref<640x128xf32, #tpu.memory_space<hbm>>) target_semaphore(%run_scoped3A : memref<!tpu.dma_semaphore, #tpu.memory_space<semaphore_mem>>)
      %dma_wait3A = arith.constant 0 : i32
      %dma_wait3A_21 = tpu.memref_slice %arg7[%arg0, %mul3A_16, %dma_wait3A] : memref<2x10240x128xf32, #tpu.memory_space<hbm>> -> memref<1x640x128xf32, #tpu.memory_space<hbm>>
      %dma_wait3A_22 = tpu.memref_squeeze %dma_wait3A_21 : memref<1x640x128xf32, #tpu.memory_space<hbm>> -> memref<640x128xf32, #tpu.memory_space<hbm>>
      %dma_wait3A_23 = arith.constant 0 : i32
      %dma_wait3A_24 = tpu.memref_slice %arg12[%mul3A_14, %dma_wait3A_23] : memref<10240x128xf32, #tpu.memory_space<vmem_shared>> -> memref<640x128xf32, #tpu.memory_space<vmem_shared>>
      tpu.wait_dma2 semaphore(%run_scoped3A : memref<!tpu.dma_semaphore, #tpu.memory_space<semaphore_mem>>) src(%dma_wait3A_24 : memref<640x128xf32, #tpu.memory_space<vmem_shared>>) dst(%dma_wait3A_22 : memref<640x128xf32, #tpu.memory_space<hbm>>)
      tpu.yield
    }) : () -> ()
    return
  }
}

module attributes {stable_mosaic.version = 14 : i64} {
  func.func @_mm_body(%arg0: i32, %arg1: memref<1000x128xf32, #tpu.memory_space<vmem>>, %arg2: memref<128x128xf32, #tpu.memory_space<vmem>>, %arg3: memref<1000x128xf32, #tpu.memory_space<vmem>>) attributes {dimension_semantics = [#tpu.dimension_semantics<arbitrary>], iteration_bounds = array<i64: 10>, scalar_prefetch = 0 : i64, scratch_operands = 0 : i64, tpu.core_type = #tpu.core_type<tc>, window_params = [{transform_indices = @transform_0, window_bounds = array<i64: 1000, 128>}, {pipeline_mode = #tpu.pipeline_mode<synchronous>, transform_indices = @transform_1, window_bounds = array<i64: 128, 128>}, {transform_indices = @transform_2, window_bounds = array<i64: 1000, 128>}]} {
    %get3A = arith.constant 0 : index
    %get3A_0 = arith.constant 0 : index
    %get3A_1 = vector.load %arg1[%get3A, %get3A_0] : memref<1000x128xf32, #tpu.memory_space<vmem>>, vector<1000x128xf32>
    %get3A_2 = arith.constant 0 : index
    %get3A_3 = arith.constant 0 : index
    %get3A_4 = vector.load %arg2[%get3A_2, %get3A_3] : memref<128x128xf32, #tpu.memory_space<vmem>>, vector<128x128xf32>
    %dot_general3A = arith.constant dense<0.000000e+00> : vector<1000x128xf32>
    %dot_general3A_5 = tpu.matmul %get3A_1, %get3A_4, %dot_general3A {dimension_numbers = #tpu.dot_dimension_numbers<[1], [1], [0], [0], [0, 0, 1, 0], [], []>, transpose_lhs_hint = false} : vector<1000x128xf32>, vector<128x128xf32>, vector<1000x128xf32> -> vector<1000x128xf32>
    %swap3A = arith.constant 0 : index
    %swap3A_6 = arith.constant 0 : index
    %swap3A_7 = vector.load %arg3[%swap3A, %swap3A_6] : memref<1000x128xf32, #tpu.memory_space<vmem>>, vector<1000x128xf32>
    tpu.vector_store %arg3[%swap3A, %swap3A_6], %dot_general3A_5 {strides = array<i32>} : memref<1000x128xf32, #tpu.memory_space<vmem>>, vector<1000x128xf32>,
    return
  }
  func.func @transform_0(%arg0: i32) -> (i32, i32) {
    %c0_i32 = arith.constant 0 : i32
    %c0_i32_0 = arith.constant 0 : i32
    return %arg0, %c0_i32 : i32, i32
  }
  func.func @transform_1(%arg0: i32) -> (i32, i32) {
    %c0_i32 = arith.constant 0 : i32
    %c0_i32_0 = arith.constant 0 : i32
    %c0_i32_1 = arith.constant 0 : i32
    return %c0_i32, %c0_i32_0 : i32, i32
  }
  func.func @transform_2(%arg0: i32) -> (i32, i32) {
    %c0_i32 = arith.constant 0 : i32
    %c0_i32_0 = arith.constant 0 : i32
    return %arg0, %c0_i32 : i32, i32
  }
}

module attributes {stable_mosaic.version = 14 : i64} {
  func.func @_add_body(%arg0: i32, %arg1: memref<1x400x128xf32, #tpu.memory_space<vmem>>, %arg2: memref<1x400x128xf32, #tpu.memory_space<vmem>>, %arg3: memref<400x128xf32, #tpu.memory_space<vmem>>) attributes {dimension_semantics = [#tpu.dimension_semantics<arbitrary>], iteration_bounds = array<i64: 25>, scalar_prefetch = 0 : i64, scratch_operands = 0 : i64, tpu.core_type = #tpu.core_type<tc>, window_params = [{transform_indices = @transform_0, window_bounds = array<i64: 1, 400, 128>}, {transform_indices = @transform_1, window_bounds = array<i64: 1, 400, 128>}, {transform_indices = @transform_2, window_bounds = array<i64: 400, 128>}]} {
    %get3A = arith.constant 0 : index
    %get3A_0 = arith.constant 0 : index
    %get3A_1 = arith.constant 0 : index
    %get3A_2 = vector.load %arg1[%get3A, %get3A_0, %get3A_1] : memref<1x400x128xf32, #tpu.memory_space<vmem>>, vector<1x400x128xf32>
    %get3A_3 = vector.shape_cast %get3A_2 : vector<1x400x128xf32> to vector<400x128xf32>
    %get3A_4 = arith.constant 0 : index
    %get3A_5 = arith.constant 0 : index
    %get3A_6 = arith.constant 0 : index
    %get3A_7 = vector.load %arg2[%get3A_4, %get3A_5, %get3A_6] : memref<1x400x128xf32, #tpu.memory_space<vmem>>, vector<1x400x128xf32>
    %get3A_8 = vector.shape_cast %get3A_7 : vector<1x400x128xf32> to vector<400x128xf32>
    %add3A = arith.addf %get3A_3, %get3A_8 : vector<400x128xf32>
    %swap3A = arith.constant 0 : index
    %swap3A_9 = arith.constant 0 : index
    %swap3A_10 = vector.load %arg3[%swap3A, %swap3A_9] : memref<400x128xf32, #tpu.memory_space<vmem>>, vector<400x128xf32>
    tpu.vector_store %arg3[%swap3A, %swap3A_9], %add3A {strides = array<i32>} : memref<400x128xf32, #tpu.memory_space<vmem>>, vector<400x128xf32>,
    return
  }
  func.func @transform_0(%arg0: i32) -> (i32, i32, i32) {
    %c0_i32 = arith.constant 0 : i32
    %c0_i32_0 = arith.constant 0 : i32
    %c0_i32_1 = arith.constant 0 : i32
    return %c0_i32, %arg0, %c0_i32_0 : i32, i32, i32
  }
  func.func @transform_1(%arg0: i32) -> (i32, i32, i32) {
    %c1_i32 = arith.constant 1 : i32
    %c0_i32 = arith.constant 0 : i32
    %c0_i32_0 = arith.constant 0 : i32
    return %c1_i32, %arg0, %c0_i32 : i32, i32, i32
  }
  func.func @transform_2(%arg0: i32) -> (i32, i32) {
    %c0_i32 = arith.constant 0 : i32
    %c0_i32_0 = arith.constant 0 : i32
    return %arg0, %c0_i32 : i32, i32
  }
}

</mosaic_0001>

<sc_bundles>
// kernel: kernel.5.cloned.1.call-start
scs
__scs_entry_jumppad:
0x0: {  	(pc) =	sbr.rel $0x88, $3  }
0x1: {  	(tag) =	ssettag $0x0;
	lr =	simm.s32 $0x1  }
0x2: {  	[smem:$0x3F9D] =	sst lr;
	_ =	strace $0xD0000000  }
0x3: {  	_ = 	snop  }
0x4: {  	_ = 	snop  }
0x5: {  	_ = 	snop  }
0x6: {  	_ = 	snop  }
0x7: {  	_ = 	snop  }
__scs_overlays_trampoline_lowered:
0x8: {  	[smem:$0x3FAC] =	sst s0  }
0x9: {  	[smem:$0x3FAD] =	sst s1  }
0xa: {  	[smem:$0x3FAE] =	sst s2  }
0xb: {  	[smem:$0x3FAF] =	sst s3  }
0xc: {  	[smem:$0x3FB0] =	sst s4  }
0xd: {  	[smem:$0x3FB1] =	sst s5  }
0xe: {  	[smem:$0x3FB2] =	sst s6  }
0xf: {  	[smem:$0x3FB3] =	sst s7  }
0x10: {  	[smem:$0x3FB4] =	sst s8  }
0x11: {  	[smem:$0x3FB5] =	sst s9;
	s0 =	simm.s32 @!p0 $0x0  }
0x12: {  	s1 =	sld [smem:$0x3F9B];
	s0 =	simm.s32 @p0 $0x1  }
0x13: {  	[smem:$0x3FB6] =	sst s0;
	s0 =	simm.s32 @!p1 $0x0  }
0x14: {  	s2 =	sld [smem:$0x3F9A];
	s0 =	simm.s32 @p1 $0x1  }
0x15: {  	[smem:$0x3FB7] =	sst s0;
	s0 =	simm.s32 @!p2 $0x0  }
0x16: {  	s3 =	sld [smem:$0x3FDB];
	s0 =	simm.s32 @p2 $0x1  }
0x17: {  	s4 =	simm.s32 $0x1BF5;
	[smem:$0x3FB9] =	sst s0  }
0x18: {  	s0 =	sld [smem:$0x3F9C];
	_ =	swait.ge [sflag:s4], $0x0  }
0x19: {  	s7 =	sld [smem:$0x3F9D]  }
0x1a: {  	s8 =	sadd.s32 $0xFFFFE003, lr  }
0x1b: {  	s9 =	sadd.s32 $0xFFFFFEF7, lr;
	s5 =	simm.s32 $0xFFFFFFFF;
	p2 =	slt.u32 s8, $0xFFFFF086  }
0x1c: {  	p1 =	slt.u32 s9, $0xF7A;
	s5 =	simm.s32 @!p2 $0x0  }
0x1d: {  	s5 =	simm.s32 @p1 $0x1;
	p0 =	seq.s32 s7, s2  }
0x1e: {  	s7 =	smul.u32 @!p0 $0xF7A, s2;
	p2 =	seq.s32 @!p0 s5, $0x0  }
0x1f: {  	s9 =	smul.u32 $0xF7A, s1;
	s8 =	simm.s32 @!p0 $0x1BF5;
	p2 =	por !p2, p0  }
0x20: {  	[sflag:s8] =	ssyncset.s32 @!p0 $0xFFFFF086;
	s6 =	sadd.s32 @!p0 s3, s7;
	s7 =	simm.s32 @!p0 $0x108  }
0x21: {  	s3 =	sadd.s32 s3, s9;
	s6 =	sadd.s32 @!p0 $0x88, s6;
	s7 =	simm.s32 @p2 $0x1082  }
0x22: {  	[simem:s7], [sflag:s8] =	dma.local @!p0 [hbm:s6], $0xF7A  }
0x23: {  	s9 =	sor.u32 $0xD0000000, s2;
	s6 =	simm.s32 $0x108;
	_ =	swait.ge @!p0 [sflag:s8], $0x0  }
0x24: {  	s3 =	sadd.s32 $0x88, s3;
	s6 =	simm.s32 @!p1 $0x1082;
	[sflag:s4] =	ssyncset.s32 $0xFFFFF086  }
0x25: {  	[simem:s6], [sflag:s4] =	dma.local [hbm:s3], $0xF7A  }
0x26: {  	[smem:$0x3F9D] =	sst s1;
	(tag) =	ssettag s2;
	_ =	strace s9  }
0x27: {  	s1 =	sld [smem:$0x3FAD]  }
0x28: {  	s2 =	sld [smem:$0x3FAE]  }
0x29: {  	s4 =	sld [smem:$0x3FB0]  }
0x2a: {  	p0 =	seq.s32 s5, $0x0;
	s5 =	sld [smem:$0x3FB1]  }
0x2b: {  	s6 =	sld [smem:$0x3FB2]  }
0x2c: {  	s7 =	sld [smem:$0x3FB3]  }
0x2d: {  	s3 =	simm.s32 $0x108;
	s8 =	sld [smem:$0x3FB4]  }
0x2e: {  	s3 =	simm.s32 @!p0 $0x1082;
	s9 =	sld [smem:$0x3FB5]  }
0x2f: {  	lr =	sadd.s32 s0, s3;
	s0 =	sld [smem:$0x3FAC]  }
0x30: {  	s3 =	sld [smem:$0x3FAF]  }
0x31: {  	[smem:$0x3FB8] =	sst s10  }
0x32: {  	s10 =	sld [smem:$0x3FB6];
	_ =	sdelay $0x3  }
0x33: {  	p0 =	seq.s32 s10, $0x1;
	s10 =	sld [smem:$0x3FB8];
	_ =	sdelay $0x3  }
0x34: {  	[smem:$0x3FB8] =	sst s10  }
0x35: {  	s10 =	sld [smem:$0x3FB7];
	_ =	sdelay $0x3  }
0x36: {  	p1 =	seq.s32 s10, $0x1;
	s10 =	sld [smem:$0x3FB8];
	_ =	sdelay $0x3  }
0x37: {  	[smem:$0x3FB8] =	sst s10  }
0x38: {  	s10 =	sld [smem:$0x3FB9]  }
0x39: {  	_ = 	snop;
	(pc) =	sbr.ind lr, $3  }
0x3a: {  	_ = 	snop  }
0x3b: {  	_ = 	snop  }
0x3c: {  	p2 =	seq.s32 s10, $0x1;
	s10 =	sld [smem:$0x3FB8]  }
0x3d: {  	_ =	shalt  }
0x3e: {  	_ =	shalt  }
0x3f: {  	_ =	shalt  }
0x40: {  	_ =	shalt  }
0x41: {  	_ =	shalt  }
0x42: {  	_ =	shalt  }
0x43: {  	_ =	shalt  }
0x44: {  	_ =	shalt  }
0x45: {  	_ =	shalt  }
0x46: {  	_ =	shalt  }
0x47: {  	_ =	shalt  }
0x48: {  	_ =	shalt  }
0x49: {  	_ =	shalt  }
0x4a: {  	_ =	shalt  }
0x4b: {  	_ =	shalt  }
0x4c: {  	_ =	shalt  }
0x4d: {  	_ =	shalt  }
0x4e: {  	_ =	shalt  }
0x4f: {  	_ =	shalt  }
0x50: {  	_ =	shalt  }
0x51: {  	_ =	shalt  }
0x52: {  	_ =	shalt  }
0x53: {  	_ =	shalt  }
0x54: {  	_ =	shalt  }
0x55: {  	_ =	shalt  }
0x56: {  	_ =	shalt  }
0x57: {  	_ =	shalt  }
0x58: {  	_ =	shalt  }
0x59: {  	_ =	shalt  }
0x5a: {  	_ =	shalt  }
0x5b: {  	_ =	shalt  }
0x5c: {  	_ =	shalt  }
0x5d: {  	_ =	shalt  }
0x5e: {  	_ =	shalt  }
0x5f: {  	_ =	shalt  }
0x60: {  	_ =	shalt  }
0x61: {  	_ =	shalt  }
0x62: {  	_ =	shalt  }
0x63: {  	_ =	shalt  }
0x64: {  	_ =	shalt  }
0x65: {  	_ =	shalt  }
0x66: {  	_ =	shalt  }
0x67: {  	_ =	shalt  }
0x68: {  	_ =	shalt  }
0x69: {  	_ =	shalt  }
0x6a: {  	_ =	shalt  }
0x6b: {  	_ =	shalt  }
0x6c: {  	_ =	shalt  }
0x6d: {  	_ =	shalt  }
0x6e: {  	_ =	shalt  }
0x6f: {  	_ =	shalt  }
0x70: {  	_ =	shalt  }
0x71: {  	_ =	shalt  }
0x72: {  	_ =	shalt  }
0x73: {  	_ =	shalt  }
0x74: {  	_ =	shalt  }
0x75: {  	_ =	shalt  }
0x76: {  	_ =	shalt  }
0x77: {  	_ =	shalt  }
0x78: {  	_ =	shalt  }
0x79: {  	_ =	shalt  }
0x7a: {  	_ =	shalt  }
0x7b: {  	_ =	shalt  }
0x7c: {  	_ =	shalt  }
0x7d: {  	_ =	shalt  }
0x7e: {  	_ =	shalt  }
0x7f: {  	_ =	shalt  }
0x80: {  	_ =	shalt  }
0x81: {  	_ =	shalt  }
0x82: {  	_ =	shalt  }
0x83: {  	_ =	shalt  }
0x84: {  	_ =	shalt  }
0x85: {  	_ =	shalt  }
0x86: {  	_ =	shalt  }
0x87: {  	_ =	shalt  }
.Lfunc_end0:
.L_simem_size_0:
called_computation_lowered:
.L_overlay_start_0:
0x88: {  	s2 =	sld [smem:$0x3FD9]  }
0x89: {  	s3 =	sld [smem:$0x3FFE];
	_ =	sdelay $0x1  }
0x8a: {  	s1 =	srdreg.scid  }
0x8b: {  	s0 =	sand.u32 $0x1, s1  }
0x8c: {  	s17 =	sshll.u32 s0, $0xA;
	s2 =	sadd.s32 s3, s2  }
0x8d: {  	s2 =	sadd.s32 s2, s17  }
0x8e: {  	[smem:$0x3FC4] =	sst s2  }
0x8f: {  	_ = 	snop  }
0x90: {  	s2 =	sld [smem:$0x3FD0];
	(tm) =	ssettm $0x1  }
0x91: {  	s18 =	sld [smem:$0x3FFB];
	_ =	sdelay $0x3  }
0x92: {  	_ =	strace s18  }
0x93: {  	s3 =	sld [smem:$0x3FFC];
	_ =	sdelay $0x3  }
0x94: {  	_ =	strace s3  }
0x95: {  	s3 =	sld [smem:$0x3FFD];
	_ =	sdelay $0x3  }
0x96: {  	_ =	strace s3  }
0x97: {  	_ =	strace $0x8FFFFFFF  }
0x98: {  	s19 =	sld [smem:$0x3FDB];
	_ =	sdelay $0x1  }
0x99: {  	s4 =	simm.s32 $_scs_section_size  }
0x9a: {  	s5 =	simm.s32 $_size__tile_overlayer_lowered;
	s6 =	simm.s32 $_tile_overlayer_lowered  }
0x9b: {  	s22 =	simm.s32 $0x1BFF;
	s21 =	sshll.u32 s6, $0x1;
	s3 =	sadd.s32 s4, s19  }
0x9c: {  	s7 =	simm.s32 $0x0;
	s20 =	sshll.u32 s5, $0x1;
	s5 =	sadd.s32 s21, s3  }
0x9d: {  	[timem:s7], [sflag:s22] =	dma.local [hbm:s5], s20  }
0x9e: {  	_ =	swait.ge [sflag:s22], s20  }
0x9f: {  	s4 =	ssub.s32 $0x0, s20;
	[sflag:s22] =	ssyncset.done $0x0  }
0xa0: {  	[sflag:s22] =	ssyncadd.s32 s4;
	_ =	sdelay $0x1  }
0xa1: {  	s23 =	simm.s32 $0x1B8B  }
0xa2: {  	_ =	swait.ge [sflag:s23], $0x1  }
0xa3: {  	[sflag:s23] =	ssyncset.done $0x0  }
0xa4: {  	s25 =	simm.s32 $0x1B8E;
	s24 =	sld [smem:$0x3FFE];
	[sflag:s23] =	ssyncadd.s32 $0xFFFFFFFF  }
0xa5: {  	s26 =	simm.s32 $execute0_lowered;
	[smem:$0x3FD2] =	sst s25  }
0xa6: {  	s5 =	sshll.u32 s26, $0x1;
	_ =	strace $0x80000046;
	[dreg:$0x1] =	wrdreg $0xFFFFFFFF  }
0xa7: {  	s28 =	simm.s32 $_size_execute0_lowered;
	s3 =	sadd.s32 s3, s5;
	[dreg:$0x0] =	wrdreg $0x0  }
0xa8: {  	s5 =	sshll.u32 s28, $0x1;
	[dreg:$0x2] =	wrdreg s3  }
0xa9: {  	[dreg:$0x3] =	wrdreg s5  }
0xaa: {  	[dreg:$0x4] =	wrdreg $0xC0  }
0xab: {  	_ =	task [dreg:s7], $0x5FFFF  }
0xac: {  	[dreg:$0x1] =	wrdreg $0xFFFFFFFF  }
0xad: {  	[dreg:$0x0] =	wrdreg $0x60  }
0xae: {  	[dreg:$0x2] =	wrdreg s2  }
0xaf: {  	[dreg:$0x3] =	wrdreg s24  }
0xb0: {  	[dreg:$0x4] =	wrdreg $0xB8000  }
0xb1: {  	[dreg:$0x5] =	wrdreg $0x9  }
0xb2: {  	_ =	task.clear_ibuf [dreg:s7], $0x6FFFF;
	_ =	strace $0x90000046  }
0xb3: {  	s29 =	simm.s32 $0x9;
	_ =	strace $0x80000048  }
0xb4: {  	_ =	swait.ge [sflag:s29], $0x1  }
0xb5: {  	[sflag:s29] =	ssyncadd.s32 $0xFFFFFFFF  }
0xb6: {  	_ =	strace $0x90000048  }
0xb7: {  	_ =	sfence  }
0xb8: {  	s30 =	sld [smem:$0x0];
	_ =	sdelay $0x2  }
0xb9: {  	s31 =	sshll.u32 s1, $0xD;
	s1 =	sshrl.u32 s1, $0x2  }
0xba: {  	s3 =	sand.u32 $0x4000, s31;
	s1 =	sadd.s32 s1, s30  }
0xbb: {  	s0 =	sor.u32 s3, s0;
	s1 =	sshll.u32 s1, $0x11  }
0xbc: {  	s0 =	sor.u32 s1, s0  }
0xbd: {  	s0 =	sadd.s32 $0x8F2B, s0  }
0xbe: {  	[sflag:s0] =	ssyncadd.remote.s32 $0x1  }
0xbf: {  	_ =	sfence.sel $0xFFFF  }
0xc0: {  	[dreg:$0x0] =	wrdreg $0xFFFFFFFF;
	(pc) =	sbr.abs _section_cstart, $3  }
0xc1: {  	[dreg:$0x1] =	wrdreg $0xFFFFFFFF  }
0xc2: {  	_ =	task.clear_ibuf [dreg:s7], $0x2FFFF;
	_ =	strace $0x9FFFFFFF  }
0xc3: {  	(tm) =	ssettm $0x7FFFFFFF  }
tec
execute0_lowered:
.L_overlay_start_1:
0x0: {  	(tag) =	ssettag $0x1  }
0x1: {  	s2 =	srdreg.scid;
	s1 =	rddreg [dreg:$0x0]  }
0x2: {  	s0 =	stileid.u32;
	s6 =	rddreg [dreg:$0x1]  }
0x3: {  	s3 =	rddreg [dreg:$0x2];
	s4 =	simm.s32 $0x0;
	s14 =	simm.s32 $0x2800  }
0x4: {  	s15 =	simm.s32 $0x5000;
	s16 =	simm.s32 $0x80;
	s17 =	simm.s32 $0x7800  }
0x5: {  	s18 =	simm.s32 $0x1;
	s19 =	simm.s32 $0x0;
	s8 =	smul.u32 $0x14000, s0  }
0x6: {  	s5 =	sand.u32 $0x1, s2;
	s25 =	sshll.u32 s0, $0x1;
	s28 =	smul.u32 $0x50000, s0  }
0x7: {  	[smem:$0x7FF] =	sst s4;
	s2 =	sor.u32 s5, s25;
	s9 =	smul.u32 $0x140000, s5  }
0x8: {  	s31 =	sshll.u32 s0, $0x6;
	s5 =	ssub.s32 $0x2, s5;
	s7 =	smul.u32 $0x500, s2  }
0x9: {  	s2 =	rddreg [dreg:$0x3];
	_ =	strace $0x80000047;
	s26 =	sshrl.u32 s8, $0x3  }
0xa: {  	v0 =	vimm.s32 $0x0;
	s29 =	sshrl.u32 s5, $0x1;
	s30 =	sshrl.u32 s28, $0x2;
	s8 =	sadd.s32 s8, s9  }
0xb: {  	v1 =	vimm.s32 $0x1;
	v2 =	vimm.s32 $0x2;
	v3 =	vimm.s32 $0x3;
	s12 =	ssub.s32 s5, s29;
	s13 =	sadd.s32 s30, s3;
	s8 =	sshrl.u32 s8, $0x3  }
0xc: {  	v4 =	vimm.s32 $0x4;
	v5 =	vimm.s32 $0x5;
	v6 =	vimm.s32 $0x6;
	s10 =	sadd.s32 s7, s6;
	s7 =	sadd.s32 s26, s6;
	s11 =	sadd.s32 s8, s6  }
0xd: {  	v7 =	vimm.s32 $0x7;
	v8 =	vimm.s32 $0x8;
	v9 =	vimm.s32 $0x9;
	s5 =	sadd.s32 $0x1EE00, s7;
	s6 =	sor.u32 $0x1C02, s31;
	s7 =	sadd.s32 $0x14E00, s10  }
0xe: {  	v10 =	vimm.s32 $0xA;
	v11 =	vimm.s32 $0xB;
	v12 =	vimm.s32 $0xC;
	s8 =	sadd.s32 $0xAE00, s10;
	s9 =	sadd.s32 $0xE00, s10;
	s10 =	sadd.s32 $0x46E00, s11  }
0xf: {  	v13 =	vimm.s32 $0xD;
	v14 =	vimm.s32 $0xE;
	v15 =	vimm.s32 $0xF;
	s11 =	smax.u32 s12, $0x1;
	s12 =	sshrl.u32 s13, $0x3;
	s13 =	simm.s32 $0x2  }
.LBB2_1:
0x10: {  	[spmem:s12], [sflag:s6] =	dma.local [hbm:s5], $0x2800  }
0x11: {  	_ =	swait.ge [sflag:s13], $0x2800  }
0x12: {  	[sflag:s13] =	ssyncset.done $0x0  }
0x13: {  	[sflag:s13] =	ssyncadd.s32 $0xFFFFD800  }
0x14: {  	[tilespmem:s4], [sflag:$0x2] =	stream.linear.gather [hbm4b:s7+s4], $0x2800, $0x38;
	[tilespmem:$0x1F800] =	vst v63  }
0x15: {  	_ =	swait.ge [sflag:s13], $0x2800  }
0x16: {  	[sflag:s13] =	ssyncset.done $0x0  }
0x17: {  	[sflag:s13] =	ssyncadd.s32 $0xFFFFD800  }
0x18: {  	[tilespmem:s14], [sflag:$0x2] =	stream.linear.gather [hbm4b:s8+s4], $0x2800, $0x38;
	[tilespmem:$0x1F800] =	vst v63  }
0x19: {  	_ =	swait.ge [sflag:s13], $0x2800  }
0x1a: {  	[sflag:s13] =	ssyncset.done $0x0  }
0x1b: {  	[sflag:s13] =	ssyncadd.s32 $0xFFFFD800  }
0x1c: {  	[tilespmem:s15], [sflag:$0x2] =	stream.linear.gather [hbm4b:s9+s4], $0x2800, $0x38;
	[tilespmem:$0x1F800] =	vst v63  }
0x1d: {  	_ =	swait.ge [sflag:s13], $0x2800  }
0x1e: {  	[sflag:s13] =	ssyncset.done $0x0  }
0x1f: {  	[sflag:s13] =	ssyncadd.s32 $0xFFFFD800  }
0x20: {  	s20 =	simm.s32 $0x0;
	[bflag:$0x0] =	sbarrier.arrive $0xFFFF  }
.LBB2_2:
0x21: {  	s21 =	sshll.u32 s20, $0x7  }
0x22: {  	[tilespmem:s17], [sflag:$0x1] =	stream.indirect.gather [hbm4b:s1+s16], $0x80, s21, s16, $0xb8;
	[tilespmem:$0x1F800] =	vst v63  }
0x23: {  	s23 =	sadd.s32 $0x5000, s21  }
0x24: {  	_ =	swait.ge [sflag:s18], $0x4000;
	v16 =	vmov s23  }
0x25: {  	[sflag:s18] =	ssyncset.done $0x0  }
0x26: {  	s22 =	simm.s32 $0x0;
	[sflag:s18] =	ssyncadd.s32 $0xFFFFC000  }
.LBB2_3:
0x27: {  	s23 =	sshll.u32 s22, $0x4  }
0x28: {  	s23 =	sand.u32 $0x3FFFFFF0, s23  }
0x29: {  	s31 =	sshll.u32 s22, $0xB;
	v17 =	vld.idx.msk [tilespmem:v16+s23+$0x0 ss:$0x1], $0xffff  }
0x2a: {  	s23 =	sand.u32 $0x3FFFF800, s31  }
0x2b: {  	v18 =	vld [tilespmem:s23+$0x7800]  }
0x2c: {  	v19 =	vld [tilespmem:s23+$0x7810]  }
0x2d: {  	v20 =	vld [tilespmem:s23+$0x7820]  }
0x2e: {  	v22 =	vld [tilespmem:s23+$0x7830];
	v21 =	vperm.xlane v17, v0  }
0x2f: {  	v23 =	vld [tilespmem:s23+$0x7840]  }
0x30: {  	v24 =	vld [tilespmem:s23+$0x7850];
	v18 =	vmul.f32 v18, v21  }
0x31: {  	v25 =	vld [tilespmem:s23+$0x7860];
	v19 =	vmul.f32 v19, v21  }
0x32: {  	v38 =	vld [tilespmem:s23+$0x7870];
	[tilespmem:s23+$0x7800] =	vst v18;
	v18 =	vmul.f32 v20, v21  }
0x33: {  	v39 =	vld [tilespmem:s23+$0x7880];
	[tilespmem:s23+$0x7810] =	vst v19;
	v19 =	vmul.f32 v22, v21  }
0x34: {  	v40 =	vld [tilespmem:s23+$0x7890];
	[tilespmem:s23+$0x7820] =	vst v18;
	v18 =	vmul.f32 v23, v21  }
0x35: {  	v41 =	vld [tilespmem:s23+$0x78A0];
	[tilespmem:s23+$0x7830] =	vst v19;
	v19 =	vmul.f32 v24, v21  }
0x36: {  	v26 =	vld [tilespmem:s23+$0x78B0];
	v42 =	vperm.xlane v17, v1;
	[tilespmem:s23+$0x7840] =	vst v18;
	v18 =	vmul.f32 v25, v21  }
0x37: {  	v43 =	vld [tilespmem:s23+$0x78C0];
	[tilespmem:s23+$0x7850] =	vst v19;
	v19 =	vmul.f32 v38, v21  }
0x38: {  	v44 =	vld [tilespmem:s23+$0x78D0];
	[tilespmem:s23+$0x7860] =	vst v18;
	v18 =	vmul.f32 v39, v42  }
0x39: {  	v45 =	vld [tilespmem:s23+$0x78E0];
	[tilespmem:s23+$0x7870] =	vst v19;
	v19 =	vmul.f32 v40, v42  }
0x3a: {  	v46 =	vld [tilespmem:s23+$0x78F0];
	[tilespmem:s23+$0x7880] =	vst v18;
	v18 =	vmul.f32 v41, v42  }
0x3b: {  	v47 =	vld [tilespmem:s23+$0x7900];
	[tilespmem:s23+$0x7890] =	vst v19;
	v19 =	vmul.f32 v26, v42  }
0x3c: {  	v48 =	vld [tilespmem:s23+$0x7910];
	[tilespmem:s23+$0x78A0] =	vst v18;
	v18 =	vmul.f32 v43, v42  }
0x3d: {  	v49 =	vld [tilespmem:s23+$0x7920];
	[tilespmem:s23+$0x78B0] =	vst v19;
	v19 =	vmul.f32 v44, v42  }
0x3e: {  	v51 =	vld [tilespmem:s23+$0x7930];
	v50 =	vperm.xlane v17, v2;
	[tilespmem:s23+$0x78C0] =	vst v18;
	v18 =	vmul.f32 v45, v42  }
0x3f: {  	v52 =	vld [tilespmem:s23+$0x7940];
	[tilespmem:s23+$0x78D0] =	vst v19;
	v19 =	vmul.f32 v46, v42  }
0x40: {  	v53 =	vld [tilespmem:s23+$0x7950];
	[tilespmem:s23+$0x78E0] =	vst v18;
	v18 =	vmul.f32 v47, v50  }
0x41: {  	v54 =	vld [tilespmem:s23+$0x7960];
	[tilespmem:s23+$0x78F0] =	vst v19;
	v19 =	vmul.f32 v48, v50  }
0x42: {  	v55 =	vld [tilespmem:s23+$0x7970];
	[tilespmem:s23+$0x7900] =	vst v18;
	v18 =	vmul.f32 v49, v50  }
0x43: {  	v56 =	vld [tilespmem:s23+$0x7980];
	[tilespmem:s23+$0x7910] =	vst v19;
	v19 =	vmul.f32 v51, v50  }
0x44: {  	v57 =	vld [tilespmem:s23+$0x7990];
	[tilespmem:s23+$0x7920] =	vst v18;
	v18 =	vmul.f32 v52, v50  }
0x45: {  	v58 =	vld [tilespmem:s23+$0x79A0];
	[tilespmem:s23+$0x7930] =	vst v19;
	v19 =	vmul.f32 v53, v50  }
0x46: {  	v60 =	vld [tilespmem:s23+$0x79B0];
	v59 =	vperm.xlane v17, v3;
	[tilespmem:s23+$0x7940] =	vst v18;
	v18 =	vmul.f32 v54, v50  }
0x47: {  	v61 =	vld [tilespmem:s23+$0x79C0];
	[tilespmem:s23+$0x7950] =	vst v19;
	v19 =	vmul.f32 v55, v50  }
0x48: {  	v62 =	vld [tilespmem:s23+$0x79D0];
	[tilespmem:s23+$0x7960] =	vst v18;
	v18 =	vmul.f32 v56, v59  }
0x49: {  	v63 =	vld [tilespmem:s23+$0x79E0];
	[tilespmem:s23+$0x7970] =	vst v19;
	v19 =	vmul.f32 v57, v59  }
0x4a: {  	v28 =	vld [tilespmem:s23+$0x79F0];
	[tilespmem:s23+$0x7980] =	vst v18;
	v18 =	vmul.f32 v58, v59  }
0x4b: {  	v29 =	vld [tilespmem:s23+$0x7A00];
	[tilespmem:s23+$0x7990] =	vst v19;
	v19 =	vmul.f32 v60, v59  }
0x4c: {  	v30 =	vld [tilespmem:s23+$0x7A10];
	[tilespmem:s23+$0x79A0] =	vst v18;
	v18 =	vmul.f32 v61, v59  }
0x4d: {  	v31 =	vld [tilespmem:s23+$0x7A20];
	[tilespmem:s23+$0x79B0] =	vst v19;
	v19 =	vmul.f32 v62, v59  }
0x4e: {  	v33 =	vld [tilespmem:s23+$0x7A30];
	v32 =	vperm.xlane v17, v4;
	[tilespmem:s23+$0x79C0] =	vst v18;
	v18 =	vmul.f32 v63, v59  }
0x4f: {  	v34 =	vld [tilespmem:s23+$0x7A40];
	[tilespmem:s23+$0x79D0] =	vst v19;
	v19 =	vmul.f32 v28, v59  }
0x50: {  	v35 =	vld [tilespmem:s23+$0x7A50];
	[tilespmem:s23+$0x79E0] =	vst v18;
	v18 =	vmul.f32 v29, v32  }
0x51: {  	v36 =	vld [tilespmem:s23+$0x7A60];
	[tilespmem:s23+$0x79F0] =	vst v19;
	v19 =	vmul.f32 v30, v32  }
0x52: {  	v37 =	vld [tilespmem:s23+$0x7A70];
	[tilespmem:s23+$0x7A00] =	vst v18;
	v18 =	vmul.f32 v31, v32  }
0x53: {  	v38 =	vld [tilespmem:s23+$0x7A80];
	[tilespmem:s23+$0x7A10] =	vst v19;
	v19 =	vmul.f32 v33, v32  }
0x54: {  	v39 =	vld [tilespmem:s23+$0x7A90];
	[tilespmem:s23+$0x7A20] =	vst v18;
	v18 =	vmul.f32 v34, v32  }
0x55: {  	v40 =	vld [tilespmem:s23+$0x7AA0];
	[tilespmem:s23+$0x7A30] =	vst v19;
	v19 =	vmul.f32 v35, v32  }
0x56: {  	v41 =	vperm.xlane v17, v5;
	v42 =	vld [tilespmem:s23+$0x7AB0];
	[tilespmem:s23+$0x7A40] =	vst v18;
	v18 =	vmul.f32 v36, v32  }
0x57: {  	v43 =	vld [tilespmem:s23+$0x7AC0];
	[tilespmem:s23+$0x7A50] =	vst v19;
	v19 =	vmul.f32 v37, v32  }
0x58: {  	v44 =	vld [tilespmem:s23+$0x7AD0];
	[tilespmem:s23+$0x7A60] =	vst v18;
	v18 =	vmul.f32 v38, v41  }
0x59: {  	v45 =	vld [tilespmem:s23+$0x7AE0];
	[tilespmem:s23+$0x7A70] =	vst v19;
	v19 =	vmul.f32 v39, v41  }
0x5a: {  	v46 =	vld [tilespmem:s23+$0x7AF0];
	[tilespmem:s23+$0x7A80] =	vst v18;
	v18 =	vmul.f32 v40, v41  }
0x5b: {  	v47 =	vld [tilespmem:s23+$0x7B00];
	[tilespmem:s23+$0x7A90] =	vst v19;
	v19 =	vmul.f32 v42, v41  }
0x5c: {  	v48 =	vld [tilespmem:s23+$0x7B10];
	[tilespmem:s23+$0x7AA0] =	vst v18;
	v18 =	vmul.f32 v43, v41  }
0x5d: {  	v49 =	vld [tilespmem:s23+$0x7B20];
	[tilespmem:s23+$0x7AB0] =	vst v19;
	v19 =	vmul.f32 v44, v41  }
0x5e: {  	v51 =	vld [tilespmem:s23+$0x7B30];
	v50 =	vperm.xlane v17, v6;
	[tilespmem:s23+$0x7AC0] =	vst v18;
	v18 =	vmul.f32 v45, v41  }
0x5f: {  	v52 =	vld [tilespmem:s23+$0x7B40];
	[tilespmem:s23+$0x7AD0] =	vst v19;
	v19 =	vmul.f32 v46, v41  }
0x60: {  	v53 =	vld [tilespmem:s23+$0x7B50];
	[tilespmem:s23+$0x7AE0] =	vst v18;
	v18 =	vmul.f32 v47, v50  }
0x61: {  	v54 =	vld [tilespmem:s23+$0x7B60];
	[tilespmem:s23+$0x7AF0] =	vst v19;
	v19 =	vmul.f32 v48, v50  }
0x62: {  	v55 =	vld [tilespmem:s23+$0x7B70];
	[tilespmem:s23+$0x7B00] =	vst v18;
	v18 =	vmul.f32 v49, v50  }
0x63: {  	v56 =	vld [tilespmem:s23+$0x7B80];
	[tilespmem:s23+$0x7B10] =	vst v19;
	v19 =	vmul.f32 v51, v50  }
0x64: {  	v57 =	vld [tilespmem:s23+$0x7B90];
	[tilespmem:s23+$0x7B20] =	vst v18;
	v18 =	vmul.f32 v52, v50  }
0x65: {  	v58 =	vld [tilespmem:s23+$0x7BA0];
	[tilespmem:s23+$0x7B30] =	vst v19;
	v19 =	vmul.f32 v53, v50  }
0x66: {  	v60 =	vld [tilespmem:s23+$0x7BB0];
	v59 =	vperm.xlane v17, v7;
	[tilespmem:s23+$0x7B40] =	vst v18;
	v18 =	vmul.f32 v54, v50  }
0x67: {  	v61 =	vld [tilespmem:s23+$0x7BC0];
	[tilespmem:s23+$0x7B50] =	vst v19;
	v19 =	vmul.f32 v55, v50  }
0x68: {  	v62 =	vld [tilespmem:s23+$0x7BD0];
	[tilespmem:s23+$0x7B60] =	vst v18;
	v18 =	vmul.f32 v56, v59  }
0x69: {  	v63 =	vld [tilespmem:s23+$0x7BE0];
	[tilespmem:s23+$0x7B70] =	vst v19;
	v19 =	vmul.f32 v57, v59  }
0x6a: {  	v28 =	vld [tilespmem:s23+$0x7BF0];
	[tilespmem:s23+$0x7B80] =	vst v18;
	v18 =	vmul.f32 v58, v59  }
0x6b: {  	v29 =	vld [tilespmem:s23+$0x7C00];
	[tilespmem:s23+$0x7B90] =	vst v19;
	v19 =	vmul.f32 v60, v59  }
0x6c: {  	v30 =	vld [tilespmem:s23+$0x7C10];
	[tilespmem:s23+$0x7BA0] =	vst v18;
	v18 =	vmul.f32 v61, v59  }
0x6d: {  	v31 =	vld [tilespmem:s23+$0x7C20];
	[tilespmem:s23+$0x7BB0] =	vst v19;
	v19 =	vmul.f32 v62, v59  }
0x6e: {  	v33 =	vld [tilespmem:s23+$0x7C30];
	v32 =	vperm.xlane v17, v8;
	[tilespmem:s23+$0x7BC0] =	vst v18;
	v18 =	vmul.f32 v63, v59  }
0x6f: {  	v34 =	vld [tilespmem:s23+$0x7C40];
	[tilespmem:s23+$0x7BD0] =	vst v19;
	v19 =	vmul.f32 v28, v59  }
0x70: {  	v35 =	vld [tilespmem:s23+$0x7C50];
	[tilespmem:s23+$0x7BE0] =	vst v18;
	v18 =	vmul.f32 v29, v32  }
0x71: {  	v36 =	vld [tilespmem:s23+$0x7C60];
	[tilespmem:s23+$0x7BF0] =	vst v19;
	v19 =	vmul.f32 v30, v32  }
0x72: {  	v37 =	vld [tilespmem:s23+$0x7C70];
	[tilespmem:s23+$0x7C00] =	vst v18;
	v18 =	vmul.f32 v31, v32  }
0x73: {  	v38 =	vld [tilespmem:s23+$0x7C80];
	[tilespmem:s23+$0x7C10] =	vst v19;
	v19 =	vmul.f32 v33, v32  }
0x74: {  	v39 =	vld [tilespmem:s23+$0x7C90];
	[tilespmem:s23+$0x7C20] =	vst v18;
	v18 =	vmul.f32 v34, v32  }
0x75: {  	v40 =	vld [tilespmem:s23+$0x7CA0];
	[tilespmem:s23+$0x7C30] =	vst v19;
	v19 =	vmul.f32 v35, v32  }
0x76: {  	v42 =	vld [tilespmem:s23+$0x7CB0];
	v41 =	vperm.xlane v17, v9;
	[tilespmem:s23+$0x7C40] =	vst v18;
	v18 =	vmul.f32 v36, v32  }
0x77: {  	v43 =	vld [tilespmem:s23+$0x7CC0];
	[tilespmem:s23+$0x7C50] =	vst v19;
	v19 =	vmul.f32 v37, v32  }
0x78: {  	v44 =	vld [tilespmem:s23+$0x7CD0];
	[tilespmem:s23+$0x7C60] =	vst v18;
	v18 =	vmul.f32 v38, v41  }
0x79: {  	v45 =	vld [tilespmem:s23+$0x7CE0];
	[tilespmem:s23+$0x7C70] =	vst v19;
	v19 =	vmul.f32 v39, v41  }
0x7a: {  	v46 =	vld [tilespmem:s23+$0x7CF0];
	[tilespmem:s23+$0x7C80] =	vst v18;
	v18 =	vmul.f32 v40, v41  }
0x7b: {  	v47 =	vld [tilespmem:s23+$0x7D00];
	[tilespmem:s23+$0x7C90] =	vst v19;
	v19 =	vmul.f32 v42, v41  }
0x7c: {  	v48 =	vld [tilespmem:s23+$0x7D10];
	[tilespmem:s23+$0x7CA0] =	vst v18;
	v18 =	vmul.f32 v43, v41  }
0x7d: {  	v49 =	vld [tilespmem:s23+$0x7D20];
	[tilespmem:s23+$0x7CB0] =	vst v19;
	v19 =	vmul.f32 v44, v41  }
0x7e: {  	v51 =	vld [tilespmem:s23+$0x7D30];
	v50 =	vperm.xlane v17, v10;
	[tilespmem:s23+$0x7CC0] =	vst v18;
	v18 =	vmul.f32 v45, v41  }
0x7f: {  	v52 =	vld [tilespmem:s23+$0x7D40];
	[tilespmem:s23+$0x7CD0] =	vst v19;
	v19 =	vmul.f32 v46, v41  }
0x80: {  	v53 =	vld [tilespmem:s23+$0x7D50];
	[tilespmem:s23+$0x7CE0] =	vst v18;
	v18 =	vmul.f32 v47, v50  }
0x81: {  	v54 =	vld [tilespmem:s23+$0x7D60];
	[tilespmem:s23+$0x7CF0] =	vst v19;
	v19 =	vmul.f32 v48, v50  }
0x82: {  	v55 =	vld [tilespmem:s23+$0x7D70];
	[tilespmem:s23+$0x7D00] =	vst v18;
	v18 =	vmul.f32 v49, v50  }
0x83: {  	v56 =	vld [tilespmem:s23+$0x7D80];
	[tilespmem:s23+$0x7D10] =	vst v19;
	v19 =	vmul.f32 v51, v50  }
0x84: {  	v57 =	vld [tilespmem:s23+$0x7D90];
	[tilespmem:s23+$0x7D20] =	vst v18;
	v18 =	vmul.f32 v52, v50  }
0x85: {  	v58 =	vld [tilespmem:s23+$0x7DA0];
	[tilespmem:s23+$0x7D30] =	vst v19;
	v19 =	vmul.f32 v53, v50  }
0x86: {  	v60 =	vld [tilespmem:s23+$0x7DB0];
	v59 =	vperm.xlane v17, v11;
	[tilespmem:s23+$0x7D40] =	vst v18;
	v18 =	vmul.f32 v54, v50  }
0x87: {  	v61 =	vld [tilespmem:s23+$0x7DC0];
	[tilespmem:s23+$0x7D50] =	vst v19;
	v19 =	vmul.f32 v55, v50  }
0x88: {  	v62 =	vld [tilespmem:s23+$0x7DD0];
	[tilespmem:s23+$0x7D60] =	vst v18;
	v18 =	vmul.f32 v56, v59  }
0x89: {  	v63 =	vld [tilespmem:s23+$0x7DE0];
	[tilespmem:s23+$0x7D70] =	vst v19;
	v19 =	vmul.f32 v57, v59  }
0x8a: {  	v28 =	vld [tilespmem:s23+$0x7DF0];
	[tilespmem:s23+$0x7D80] =	vst v18;
	v18 =	vmul.f32 v58, v59  }
0x8b: {  	v29 =	vld [tilespmem:s23+$0x7E00];
	[tilespmem:s23+$0x7D90] =	vst v19;
	v19 =	vmul.f32 v60, v59  }
0x8c: {  	v30 =	vld [tilespmem:s23+$0x7E10];
	[tilespmem:s23+$0x7DA0] =	vst v18;
	v18 =	vmul.f32 v61, v59  }
0x8d: {  	v31 =	vld [tilespmem:s23+$0x7E20];
	[tilespmem:s23+$0x7DB0] =	vst v19;
	v19 =	vmul.f32 v62, v59  }
0x8e: {  	v33 =	vld [tilespmem:s23+$0x7E30];
	v32 =	vperm.xlane v17, v12;
	[tilespmem:s23+$0x7DC0] =	vst v18;
	v18 =	vmul.f32 v63, v59  }
0x8f: {  	v34 =	vld [tilespmem:s23+$0x7E40];
	[tilespmem:s23+$0x7DD0] =	vst v19;
	v19 =	vmul.f32 v28, v59  }
0x90: {  	v35 =	vld [tilespmem:s23+$0x7E50];
	[tilespmem:s23+$0x7DE0] =	vst v18;
	v18 =	vmul.f32 v29, v32  }
0x91: {  	v36 =	vld [tilespmem:s23+$0x7E60];
	[tilespmem:s23+$0x7DF0] =	vst v19;
	v19 =	vmul.f32 v30, v32  }
0x92: {  	v37 =	vld [tilespmem:s23+$0x7E70];
	[tilespmem:s23+$0x7E00] =	vst v18;
	v18 =	vmul.f32 v31, v32  }
0x93: {  	v38 =	vld [tilespmem:s23+$0x7E80];
	[tilespmem:s23+$0x7E10] =	vst v19;
	v19 =	vmul.f32 v33, v32  }
0x94: {  	v39 =	vld [tilespmem:s23+$0x7E90];
	[tilespmem:s23+$0x7E20] =	vst v18;
	v18 =	vmul.f32 v34, v32  }
0x95: {  	v40 =	vld [tilespmem:s23+$0x7EA0];
	[tilespmem:s23+$0x7E30] =	vst v19;
	v19 =	vmul.f32 v35, v32  }
0x96: {  	v42 =	vld [tilespmem:s23+$0x7EB0];
	v41 =	vperm.xlane v17, v13;
	[tilespmem:s23+$0x7E40] =	vst v18;
	v18 =	vmul.f32 v36, v32  }
0x97: {  	v43 =	vld [tilespmem:s23+$0x7EC0];
	[tilespmem:s23+$0x7E50] =	vst v19;
	v19 =	vmul.f32 v37, v32  }
0x98: {  	v44 =	vld [tilespmem:s23+$0x7ED0];
	[tilespmem:s23+$0x7E60] =	vst v18;
	v18 =	vmul.f32 v38, v41  }
0x99: {  	v45 =	vld [tilespmem:s23+$0x7EE0];
	[tilespmem:s23+$0x7E70] =	vst v19;
	v19 =	vmul.f32 v39, v41  }
0x9a: {  	v46 =	vld [tilespmem:s23+$0x7EF0];
	[tilespmem:s23+$0x7E80] =	vst v18;
	v18 =	vmul.f32 v40, v41  }
0x9b: {  	v47 =	vld [tilespmem:s23+$0x7F00];
	[tilespmem:s23+$0x7E90] =	vst v19;
	v19 =	vmul.f32 v42, v41  }
0x9c: {  	v48 =	vld [tilespmem:s23+$0x7F10];
	[tilespmem:s23+$0x7EA0] =	vst v18;
	v18 =	vmul.f32 v43, v41  }
0x9d: {  	v49 =	vld [tilespmem:s23+$0x7F20];
	[tilespmem:s23+$0x7EB0] =	vst v19;
	v19 =	vmul.f32 v44, v41  }
0x9e: {  	v51 =	vld [tilespmem:s23+$0x7F30];
	v50 =	vperm.xlane v17, v14;
	[tilespmem:s23+$0x7EC0] =	vst v18;
	v18 =	vmul.f32 v45, v41  }
0x9f: {  	v52 =	vld [tilespmem:s23+$0x7F40];
	[tilespmem:s23+$0x7ED0] =	vst v19;
	v19 =	vmul.f32 v46, v41  }
0xa0: {  	v53 =	vld [tilespmem:s23+$0x7F50];
	[tilespmem:s23+$0x7EE0] =	vst v18;
	v18 =	vmul.f32 v47, v50  }
0xa1: {  	v54 =	vld [tilespmem:s23+$0x7F60];
	[tilespmem:s23+$0x7EF0] =	vst v19;
	v19 =	vmul.f32 v48, v50  }
0xa2: {  	v55 =	vld [tilespmem:s23+$0x7F70];
	[tilespmem:s23+$0x7F00] =	vst v18;
	v18 =	vmul.f32 v49, v50  }
0xa3: {  	v56 =	vld [tilespmem:s23+$0x7F80];
	[tilespmem:s23+$0x7F10] =	vst v19;
	v19 =	vmul.f32 v51, v50  }
0xa4: {  	v57 =	vld [tilespmem:s23+$0x7F90];
	[tilespmem:s23+$0x7F20] =	vst v18;
	v18 =	vmul.f32 v52, v50  }
0xa5: {  	v58 =	vld [tilespmem:s23+$0x7FA0];
	[tilespmem:s23+$0x7F30] =	vst v19;
	v19 =	vmul.f32 v53, v50  }
0xa6: {  	v17 =	vperm.xlane v17, v15;
	v59 =	vld [tilespmem:s23+$0x7FB0];
	[tilespmem:s23+$0x7F40] =	vst v18;
	v18 =	vmul.f32 v54, v50  }
0xa7: {  	v60 =	vld [tilespmem:s23+$0x7FC0];
	[tilespmem:s23+$0x7F50] =	vst v19;
	v19 =	vmul.f32 v55, v50  }
0xa8: {  	v61 =	vld [tilespmem:s23+$0x7FD0];
	[tilespmem:s23+$0x7F60] =	vst v18;
	v18 =	vmul.f32 v56, v17  }
0xa9: {  	v62 =	vld [tilespmem:s23+$0x7FE0];
	[tilespmem:s23+$0x7F70] =	vst v19;
	v19 =	vmul.f32 v57, v17  }
0xaa: {  	v63 =	vld [tilespmem:s23+$0x7FF0];
	[tilespmem:s23+$0x7F80] =	vst v18;
	v18 =	vmul.f32 v58, v17  }
0xab: {  	[tilespmem:s23+$0x7F90] =	vst v19;
	v19 =	vmul.f32 v59, v17  }
0xac: {  	p0 =	sne.s32 s22, $0x7;
	[tilespmem:s23+$0x7FA0] =	vst v18;
	v18 =	vmul.f32 v60, v17  }
.Ltmp0:
0xad: {  	[tilespmem:s23+$0x7FB0] =	vst v19;
	v19 =	vmul.f32 v61, v17;
	(pc) =	sbr.rel @p0 .LBB2_3-.Ltmp0, $4  }
0xae: {  	[tilespmem:s23+$0x7FC0] =	vst v18;
	v18 =	vmul.f32 v62, v17  }
0xaf: {  	[tilespmem:s23+$0x7FD0] =	vst v19;
	v17 =	vmul.f32 v63, v17  }
0xb0: {  	[tilespmem:s23+$0x7FE0] =	vst v18  }
0xb1: {  	s22 =	sadd.s32 $0x1, s22;
	[tilespmem:s23+$0x7FF0] =	vst v17  }
0xb2: {  	s20 =	sadd.s32 $0x1, s20  }
0xb3: {  	p0 =	sne.s32 s20, $0x50  }
.Ltmp1:
0xb4: {  	s21 =	sadd.s32 $0x2800, s21;
	(pc) =	sbr.rel @p0 .LBB2_2-.Ltmp1, $4  }
0xb5: {  	[spmem:s3] =	stream.indirect.scatter.add.f32 [tilespmem:s17], [sflag:$0x2], $0x80, s21, s16, $0xb8;
	[tilespmem:$0x1F800] =	vst v63  }
0xb6: {  	_ =	swait.ge [sflag:s13], $0x4000  }
0xb7: {  	[sflag:s13] =	ssyncset.done $0x0  }
0xb8: {  	[sflag:s13] =	ssyncadd.s32 $0xFFFFC000  }
0xb9: {  	s19 =	sadd.s32 $0x1, s19  }
0xba: {  	p0 =	sne.s32 s19, s11  }
.Ltmp2:
0xbb: {  	[bflag:$0x0] =	sbarrier.arrive $0xFFFF;
	(pc) =	sbr.rel @p0 .LBB2_1-.Ltmp2, $4  }
0xbc: {  	[hbm:s10], [sflag:s6] =	dma.local [spmem:s12], $0x2800  }
0xbd: {  	_ =	swait.ge [sflag:s13], $0x2800  }
0xbe: {  	[sflag:s13] =	ssyncset.done $0x0  }
0xbf: {  	[sflag:s13] =	ssyncadd.s32 $0xFFFFD800  }
0xc0: {  	_ =	sfence.sel $0x180000  }
0xc1: {  	[bflag:$0x0] =	sbarrier.arrive $0xFFFF  }
0xc2: {  	p0 =	sne.s32 s0, $0x0;
	_ =	strace $0x90000047  }
0xc3: {  	s0 =	sadd.s32 @!p0 $0x100000, s2;
	[bflag:$0x2] =	sbarrier.arrive $0xFFFF  }
0xc4: {  	[sflag:s0] =	ssyncadd.tile.s32 @!p0 $0x1;
	_ =	shalt  }
.Lfunc_end2:
_tile_overlayer_lowered:
.L_overlay_start_2:
0xc5: {  	(tag) =	ssettag $0x2  }
0xc6: {  	s0 =	rddreg [dreg:$0x0];
	s2 =	stileid.u32  }
0xc7: {  	s1 =	rddreg [dreg:$0x1];
	p0 =	sne.s32 s2, $0x0  }
0xc8: {  	s3 =	rddreg [dreg:$0x2];
	[bflag:$0x3] =	sbarrier.arrive $0xFFFF;
	s2 =	simm.s32 @!p0 $0x1C02  }
0xc9: {  	[timem:s3], [sflag:s2] =	dma.local @!p0 [hbm:s0], s1  }
0xca: {  	s0 =	simm.s32 @!p0 $0x2  }
0xcb: {  	_ =	swait.ge @!p0 [sflag:s0], s1  }
0xcc: {  	s1 =	ssub.s32 @!p0 $0x0, s1;
	[sflag:s0] =	ssyncset.done @!p0 $0x0  }
0xcd: {  	[sflag:s0] =	ssyncadd.s32 @!p0 s1  }
0xce: {  	[bflag:$0x3] =	sbarrier.arrive $0xFFFF  }
0xcf: {  	_ =	shalt  }

</sc_bundles>
